<compile_context>
chip_gen: v7x
topology: tpu7x:2x2x1
jax: 0.10.2.dev20260603
libtpu: 0.0.44.dev20260713+nightly
codegen_flags: <defaults>
</compile_context>

<pallas_src>
import jax
import jax.numpy as jnp
from jax import lax
from jax.experimental import pallas as pl
from jax.experimental.pallas import tpu as pltpu
from jax.experimental.pallas import tpu_sc as plsc

_CYCLE = 168
_OUT_LEN = 720
_CHAN = 128
_BATCH = 1024
_EXT = 888
_NW = 32
_BPW = _BATCH // _NW


def _sc_body(start_hbm, data_hbm, out_hbm, idx_v, table_v, sem):
    wid = lax.axis_index("s") * 2 + lax.axis_index("c")
    base = wid * _BPW

    stage = [pltpu.make_async_copy(start_hbm.at[pl.ds(base, _BPW)], idx_v, sem)]
    nfull = _EXT // _CYCLE
    for k in range(nfull):
        stage.append(pltpu.make_async_copy(
            data_hbm, table_v.at[pl.ds(k * _CYCLE, _CYCLE)], sem))
    rem = _EXT - nfull * _CYCLE
    stage.append(pltpu.make_async_copy(
        data_hbm.at[pl.ds(0, rem)], table_v.at[pl.ds(nfull * _CYCLE, rem)], sem))
    for cp in stage:
        cp.start()
    for cp in stage:
        cp.wait()

    copies = []
    for c in range(_BPW // 16):
        vec = idx_v[pl.ds(c * 16, 16)]
        for ln in range(16):
            s = vec[ln]
            cp = pltpu.make_async_copy(
                table_v.at[pl.ds(s, _OUT_LEN)],
                out_hbm.at[base + c * 16 + ln],
                sem,
            )
            cp.start()
            copies.append(cp)
    for cp in copies:
        cp.wait()


def kernel(cycle_index, output_len, data):
    delta = jnp.asarray(output_len, jnp.int32) - _OUT_LEN
    start = jnp.mod(cycle_index.astype(jnp.int32) + delta, _CYCLE)

    run = pl.kernel(
        _sc_body,
        out_type=jax.ShapeDtypeStruct((_BATCH, _OUT_LEN, _CHAN), jnp.float32),
        mesh=plsc.VectorSubcoreMesh(core_axis_name="c", subcore_axis_name="s"),
        scratch_types=[
            pltpu.VMEM((_BPW,), jnp.int32),
            pltpu.VMEM((_EXT, _CHAN), jnp.float32),
            pltpu.SemaphoreType.DMA,
        ],
    )
    return run(start, data)

# --- scband reference (transcript-rebuilt; emitter-appended) ---
"""Pipeline reference for scband-recurrent-cycle-49615462203474 (READ-ONLY COPY).

The authoritative reference and input builder live on the scoring server;
editing this copy changes nothing except your own understanding.
"""

import jax, jax.numpy as jnp
import numpy as np

CYCLE_LEN = 168
CHANNEL_SIZE = 128
BATCH = 1024
OUTPUT_LEN = 720


def setup_inputs(seed: int = 0) -> dict:
    key = jax.random.key(seed)
    k1, k2 = jax.random.split(key)
    cycle_index = jax.random.randint(k1, (BATCH,), 0, CYCLE_LEN, dtype=jnp.int64 if jax.config.jax_enable_x64 else jnp.int32).astype(jnp.int32)
    data = jax.random.normal(k2, (CYCLE_LEN, CHANNEL_SIZE), dtype=jnp.float32) * 0.1
    return {"cycle_index": cycle_index, "output_len": OUTPUT_LEN, "data": data}


def reference(cycle_index, output_len, data):
    # Faithful to the torch module: for each batch element i,
    #   rolled = roll(data, -start_idx); tiled = repeat(rolled); out = tiled[:output_len]
    # which is exactly out[i, j] = data[(cycle_index[i] + j) % cycle_len].
    cycle_len = data.shape[0]
    start = jnp.mod(cycle_index.astype(jnp.int32), cycle_len)          # [B]
    length_delta = jnp.asarray(output_len, dtype=jnp.int32) - OUTPUT_LEN
    offs = jnp.arange(OUTPUT_LEN, dtype=jnp.int32) + length_delta      # [L]
    idx = jnp.mod(start[:, None] + offs[None, :], cycle_len)           # [B, L]
    out = jnp.take(data, idx, axis=0)                                  # [B, L, C] gather
    return out

if __name__ == "__main__":
    import jax
    _d = setup_inputs()
    print(jax.jit(kernel)(*tuple(_d.values())))

</pallas_src>

<mosaic_0001>
#map = affine_map<(d0, d1) -> (0)>
#map1 = affine_map<(d0, d1) -> (0, 0)>
#map2 = affine_map<(d0, d1) -> (0, 0, 0)>
module attributes {stable_mosaic.version = 14 : i64} {
  func.func @_sc_body(%arg0: i32, %arg1: i32, %arg2: memref<1024xi32, #tpu.memory_space<hbm>>, %arg3: memref<168x128xf32, #tpu.memory_space<hbm>>, %arg4: memref<1024x720x128xf32, #tpu.memory_space<hbm>>, %arg5: memref<32xi32, #tpu.memory_space<vmem>>, %arg6: memref<888x128xf32, #tpu.memory_space<vmem>>, %arg7: memref<!tpu.dma_semaphore, #tpu.memory_space<semaphore_mem>>) attributes {dimension_semantics = [#tpu.dimension_semantics<core_parallel>, #tpu.dimension_semantics<subcore_parallel>], iteration_bounds = array<i64: 2, 16>, scalar_prefetch = 0 : i64, scratch_operands = 3 : i64, tpu.core_type = #tpu.core_type<sc_vector_subcore>, window_params = [{transform_indices = #map}, {transform_indices = #map1}, {transform_indices = #map2}]} {
    %mul3A = arith.constant 2 : i32
    %mul3A_0 = arith.muli %arg1, %mul3A : i32
    %add3A = arith.addi %mul3A_0, %arg0 : i32
    %mul3A_1 = arith.constant 32 : i32
    %mul3A_2 = arith.muli %add3A, %mul3A_1 : i32
    %dma_start3A = tpu.memref_slice %arg2[%mul3A_2] : memref<1024xi32, #tpu.memory_space<hbm>> -> memref<32xi32, #tpu.memory_space<hbm>>
    %dma_start3A_3 = tpu.memref_slice %arg2[%mul3A_2] : memref<1024xi32, #tpu.memory_space<hbm>> -> memref<32xi32, #tpu.memory_space<hbm>>
    tpu.enqueue_dma source(%dma_start3A_3 : memref<32xi32, #tpu.memory_space<hbm>>) target(%arg5 : memref<32xi32, #tpu.memory_space<vmem>>) target_semaphore(%arg7 : memref<!tpu.dma_semaphore, #tpu.memory_space<semaphore_mem>>)
    %dma_start3A_4 = arith.constant 0 : i32
    %dma_start3A_5 = arith.constant 0 : i32
    %dma_start3A_6 = tpu.memref_slice %arg6[%dma_start3A_4, %dma_start3A_5] : memref<888x128xf32, #tpu.memory_space<vmem>> -> memref<168x128xf32, #tpu.memory_space<vmem>>
    %dma_start3A_7 = arith.constant 0 : i32
    %dma_start3A_8 = arith.constant 0 : i32
    %dma_start3A_9 = tpu.memref_slice %arg6[%dma_start3A_7, %dma_start3A_8] : memref<888x128xf32, #tpu.memory_space<vmem>> -> memref<168x128xf32, #tpu.memory_space<vmem>>
    tpu.enqueue_dma source(%arg3 : memref<168x128xf32, #tpu.memory_space<hbm>>) target(%dma_start3A_9 : memref<168x128xf32, #tpu.memory_space<vmem>>) target_semaphore(%arg7 : memref<!tpu.dma_semaphore, #tpu.memory_space<semaphore_mem>>)
    %dma_start3A_10 = arith.constant 168 : i32
    %dma_start3A_11 = arith.constant 0 : i32
    %dma_start3A_12 = tpu.memref_slice %arg6[%dma_start3A_10, %dma_start3A_11] : memref<888x128xf32, #tpu.memory_space<vmem>> -> memref<168x128xf32, #tpu.memory_space<vmem>>
    %dma_start3A_13 = arith.constant 168 : i32
    %dma_start3A_14 = arith.constant 0 : i32
    %dma_start3A_15 = tpu.memref_slice %arg6[%dma_start3A_13, %dma_start3A_14] : memref<888x128xf32, #tpu.memory_space<vmem>> -> memref<168x128xf32, #tpu.memory_space<vmem>>
    tpu.enqueue_dma source(%arg3 : memref<168x128xf32, #tpu.memory_space<hbm>>) target(%dma_start3A_15 : memref<168x128xf32, #tpu.memory_space<vmem>>) target_semaphore(%arg7 : memref<!tpu.dma_semaphore, #tpu.memory_space<semaphore_mem>>)
    %dma_start3A_16 = arith.constant 336 : i32
    %dma_start3A_17 = arith.constant 0 : i32
    %dma_start3A_18 = tpu.memref_slice %arg6[%dma_start3A_16, %dma_start3A_17] : memref<888x128xf32, #tpu.memory_space<vmem>> -> memref<168x128xf32, #tpu.memory_space<vmem>>
    %dma_start3A_19 = arith.constant 336 : i32
    %dma_start3A_20 = arith.constant 0 : i32
    %dma_start3A_21 = tpu.memref_slice %arg6[%dma_start3A_19, %dma_start3A_20] : memref<888x128xf32, #tpu.memory_space<vmem>> -> memref<168x128xf32, #tpu.memory_space<vmem>>
    tpu.enqueue_dma source(%arg3 : memref<168x128xf32, #tpu.memory_space<hbm>>) target(%dma_start3A_21 : memref<168x128xf32, #tpu.memory_space<vmem>>) target_semaphore(%arg7 : memref<!tpu.dma_semaphore, #tpu.memory_space<semaphore_mem>>)
    %dma_start3A_22 = arith.constant 504 : i32
    %dma_start3A_23 = arith.constant 0 : i32
    %dma_start3A_24 = tpu.memref_slice %arg6[%dma_start3A_22, %dma_start3A_23] : memref<888x128xf32, #tpu.memory_space<vmem>> -> memref<168x128xf32, #tpu.memory_space<vmem>>
    %dma_start3A_25 = arith.constant 504 : i32
    %dma_start3A_26 = arith.constant 0 : i32
    %dma_start3A_27 = tpu.memref_slice %arg6[%dma_start3A_25, %dma_start3A_26] : memref<888x128xf32, #tpu.memory_space<vmem>> -> memref<168x128xf32, #tpu.memory_space<vmem>>
    tpu.enqueue_dma source(%arg3 : memref<168x128xf32, #tpu.memory_space<hbm>>) target(%dma_start3A_27 : memref<168x128xf32, #tpu.memory_space<vmem>>) target_semaphore(%arg7 : memref<!tpu.dma_semaphore, #tpu.memory_space<semaphore_mem>>)
    %dma_start3A_28 = arith.constant 672 : i32
    %dma_start3A_29 = arith.constant 0 : i32
    %dma_start3A_30 = tpu.memref_slice %arg6[%dma_start3A_28, %dma_start3A_29] : memref<888x128xf32, #tpu.memory_space<vmem>> -> memref<168x128xf32, #tpu.memory_space<vmem>>
    %dma_start3A_31 = arith.constant 672 : i32
    %dma_start3A_32 = arith.constant 0 : i32
    %dma_start3A_33 = tpu.memref_slice %arg6[%dma_start3A_31, %dma_start3A_32] : memref<888x128xf32, #tpu.memory_space<vmem>> -> memref<168x128xf32, #tpu.memory_space<vmem>>
    tpu.enqueue_dma source(%arg3 : memref<168x128xf32, #tpu.memory_space<hbm>>) target(%dma_start3A_33 : memref<168x128xf32, #tpu.memory_space<vmem>>) target_semaphore(%arg7 : memref<!tpu.dma_semaphore, #tpu.memory_space<semaphore_mem>>)
    %dma_start3A_34 = arith.constant 840 : i32
    %dma_start3A_35 = arith.constant 0 : i32
    %dma_start3A_36 = tpu.memref_slice %arg6[%dma_start3A_34, %dma_start3A_35] : memref<888x128xf32, #tpu.memory_space<vmem>> -> memref<48x128xf32, #tpu.memory_space<vmem>>
    %dma_start3A_37 = arith.constant 0 : i32
    %dma_start3A_38 = arith.constant 0 : i32
    %dma_start3A_39 = tpu.memref_slice %arg3[%dma_start3A_37, %dma_start3A_38] : memref<168x128xf32, #tpu.memory_space<hbm>> -> memref<48x128xf32, #tpu.memory_space<hbm>>
    %dma_start3A_40 = arith.constant 840 : i32
    %dma_start3A_41 = arith.constant 0 : i32
    %dma_start3A_42 = tpu.memref_slice %arg6[%dma_start3A_40, %dma_start3A_41] : memref<888x128xf32, #tpu.memory_space<vmem>> -> memref<48x128xf32, #tpu.memory_space<vmem>>
    %dma_start3A_43 = arith.constant 0 : i32
    %dma_start3A_44 = arith.constant 0 : i32
    %dma_start3A_45 = tpu.memref_slice %arg3[%dma_start3A_43, %dma_start3A_44] : memref<168x128xf32, #tpu.memory_space<hbm>> -> memref<48x128xf32, #tpu.memory_space<hbm>>
    tpu.enqueue_dma source(%dma_start3A_45 : memref<48x128xf32, #tpu.memory_space<hbm>>) target(%dma_start3A_42 : memref<48x128xf32, #tpu.memory_space<vmem>>) target_semaphore(%arg7 : memref<!tpu.dma_semaphore, #tpu.memory_space<semaphore_mem>>)
    %dma_wait3A = tpu.memref_slice %arg2[%mul3A_2] : memref<1024xi32, #tpu.memory_space<hbm>> -> memref<32xi32, #tpu.memory_space<hbm>>
    %dma_wait3A_46 = tpu.memref_slice %arg2[%mul3A_2] : memref<1024xi32, #tpu.memory_space<hbm>> -> memref<32xi32, #tpu.memory_space<hbm>>
    tpu.wait_dma2 semaphore(%arg7 : memref<!tpu.dma_semaphore, #tpu.memory_space<semaphore_mem>>) src(%dma_wait3A_46 : memref<32xi32, #tpu.memory_space<hbm>>) dst(%arg5 : memref<32xi32, #tpu.memory_space<vmem>>)
    %dma_wait3A_47 = arith.constant 0 : i32
    %dma_wait3A_48 = arith.constant 0 : i32
    %dma_wait3A_49 = tpu.memref_slice %arg6[%dma_wait3A_47, %dma_wait3A_48] : memref<888x128xf32, #tpu.memory_space<vmem>> -> memref<168x128xf32, #tpu.memory_space<vmem>>
    %dma_wait3A_50 = arith.constant 0 : i32
    %dma_wait3A_51 = arith.constant 0 : i32
    %dma_wait3A_52 = tpu.memref_slice %arg6[%dma_wait3A_50, %dma_wait3A_51] : memref<888x128xf32, #tpu.memory_space<vmem>> -> memref<168x128xf32, #tpu.memory_space<vmem>>
    tpu.wait_dma2 semaphore(%arg7 : memref<!tpu.dma_semaphore, #tpu.memory_space<semaphore_mem>>) src(%arg3 : memref<168x128xf32, #tpu.memory_space<hbm>>) dst(%dma_wait3A_52 : memref<168x128xf32, #tpu.memory_space<vmem>>)
    %dma_wait3A_53 = arith.constant 168 : i32
    %dma_wait3A_54 = arith.constant 0 : i32
    %dma_wait3A_55 = tpu.memref_slice %arg6[%dma_wait3A_53, %dma_wait3A_54] : memref<888x128xf32, #tpu.memory_space<vmem>> -> memref<168x128xf32, #tpu.memory_space<vmem>>
    %dma_wait3A_56 = arith.constant 168 : i32
    %dma_wait3A_57 = arith.constant 0 : i32
    %dma_wait3A_58 = tpu.memref_slice %arg6[%dma_wait3A_56, %dma_wait3A_57] : memref<888x128xf32, #tpu.memory_space<vmem>> -> memref<168x128xf32, #tpu.memory_space<vmem>>
    tpu.wait_dma2 semaphore(%arg7 : memref<!tpu.dma_semaphore, #tpu.memory_space<semaphore_mem>>) src(%arg3 : memref<168x128xf32, #tpu.memory_space<hbm>>) dst(%dma_wait3A_58 : memref<168x128xf32, #tpu.memory_space<vmem>>)
    %dma_wait3A_59 = arith.constant 336 : i32
    %dma_wait3A_60 = arith.constant 0 : i32
    %dma_wait3A_61 = tpu.memref_slice %arg6[%dma_wait3A_59, %dma_wait3A_60] : memref<888x128xf32, #tpu.memory_space<vmem>> -> memref<168x128xf32, #tpu.memory_space<vmem>>
    %dma_wait3A_62 = arith.constant 336 : i32
    %dma_wait3A_63 = arith.constant 0 : i32
    %dma_wait3A_64 = tpu.memref_slice %arg6[%dma_wait3A_62, %dma_wait3A_63] : memref<888x128xf32, #tpu.memory_space<vmem>> -> memref<168x128xf32, #tpu.memory_space<vmem>>
    tpu.wait_dma2 semaphore(%arg7 : memref<!tpu.dma_semaphore, #tpu.memory_space<semaphore_mem>>) src(%arg3 : memref<168x128xf32, #tpu.memory_space<hbm>>) dst(%dma_wait3A_64 : memref<168x128xf32, #tpu.memory_space<vmem>>)
    %dma_wait3A_65 = arith.constant 504 : i32
    %dma_wait3A_66 = arith.constant 0 : i32
    %dma_wait3A_67 = tpu.memref_slice %arg6[%dma_wait3A_65, %dma_wait3A_66] : memref<888x128xf32, #tpu.memory_space<vmem>> -> memref<168x128xf32, #tpu.memory_space<vmem>>
    %dma_wait3A_68 = arith.constant 504 : i32
    %dma_wait3A_69 = arith.constant 0 : i32
    %dma_wait3A_70 = tpu.memref_slice %arg6[%dma_wait3A_68, %dma_wait3A_69] : memref<888x128xf32, #tpu.memory_space<vmem>> -> memref<168x128xf32, #tpu.memory_space<vmem>>
    tpu.wait_dma2 semaphore(%arg7 : memref<!tpu.dma_semaphore, #tpu.memory_space<semaphore_mem>>) src(%arg3 : memref<168x128xf32, #tpu.memory_space<hbm>>) dst(%dma_wait3A_70 : memref<168x128xf32, #tpu.memory_space<vmem>>)
    %dma_wait3A_71 = arith.constant 672 : i32
    %dma_wait3A_72 = arith.constant 0 : i32
    %dma_wait3A_73 = tpu.memref_slice %arg6[%dma_wait3A_71, %dma_wait3A_72] : memref<888x128xf32, #tpu.memory_space<vmem>> -> memref<168x128xf32, #tpu.memory_space<vmem>>
    %dma_wait3A_74 = arith.constant 672 : i32
    %dma_wait3A_75 = arith.constant 0 : i32
    %dma_wait3A_76 = tpu.memref_slice %arg6[%dma_wait3A_74, %dma_wait3A_75] : memref<888x128xf32, #tpu.memory_space<vmem>> -> memref<168x128xf32, #tpu.memory_space<vmem>>
    tpu.wait_dma2 semaphore(%arg7 : memref<!tpu.dma_semaphore, #tpu.memory_space<semaphore_mem>>) src(%arg3 : memref<168x128xf32, #tpu.memory_space<hbm>>) dst(%dma_wait3A_76 : memref<168x128xf32, #tpu.memory_space<vmem>>)
    %dma_wait3A_77 = arith.constant 840 : i32
    %dma_wait3A_78 = arith.constant 0 : i32
    %dma_wait3A_79 = tpu.memref_slice %arg6[%dma_wait3A_77, %dma_wait3A_78] : memref<888x128xf32, #tpu.memory_space<vmem>> -> memref<48x128xf32, #tpu.memory_space<vmem>>
    %dma_wait3A_80 = arith.constant 0 : i32
    %dma_wait3A_81 = arith.constant 0 : i32
    %dma_wait3A_82 = tpu.memref_slice %arg3[%dma_wait3A_80, %dma_wait3A_81] : memref<168x128xf32, #tpu.memory_space<hbm>> -> memref<48x128xf32, #tpu.memory_space<hbm>>
    %dma_wait3A_83 = arith.constant 840 : i32
    %dma_wait3A_84 = arith.constant 0 : i32
    %dma_wait3A_85 = tpu.memref_slice %arg6[%dma_wait3A_83, %dma_wait3A_84] : memref<888x128xf32, #tpu.memory_space<vmem>> -> memref<48x128xf32, #tpu.memory_space<vmem>>
    %dma_wait3A_86 = arith.constant 0 : i32
    %dma_wait3A_87 = arith.constant 0 : i32
    %dma_wait3A_88 = tpu.memref_slice %arg3[%dma_wait3A_86, %dma_wait3A_87] : memref<168x128xf32, #tpu.memory_space<hbm>> -> memref<48x128xf32, #tpu.memory_space<hbm>>
    tpu.wait_dma2 semaphore(%arg7 : memref<!tpu.dma_semaphore, #tpu.memory_space<semaphore_mem>>) src(%dma_wait3A_88 : memref<48x128xf32, #tpu.memory_space<hbm>>) dst(%dma_wait3A_85 : memref<48x128xf32, #tpu.memory_space<vmem>>)
    %get3A = arith.constant 0 : index
    %get3A_89 = tpu.vector_load %arg5[%get3A] {strides = array<i32>} : memref<32xi32, #tpu.memory_space<vmem>>, vector<16xi32>,
    %get3A_90 = vector.shape_cast %get3A_89 : vector<16xi32> to vector<16xi32>
    %slice3A = vector.extract_strided_slice %get3A_90 {offsets = [0], sizes = [1], strides = [1]} : vector<16xi32> to vector<1xi32>
    %squeeze3A = vector.extract %slice3A[0] : i32 from vector<1xi32>
    %add3A_91 = arith.constant 0 : i32
    %add3A_92 = arith.addi %mul3A_2, %add3A_91 : i32
    %add3A_93 = arith.constant 0 : i32
    %add3A_94 = arith.addi %add3A_92, %add3A_93 : i32
    %dma_start3A_95 = arith.constant 0 : i32
    %dma_start3A_96 = tpu.memref_slice %arg6[%squeeze3A, %dma_start3A_95] : memref<888x128xf32, #tpu.memory_space<vmem>> -> memref<720x128xf32, #tpu.memory_space<vmem>>
    %dma_start3A_97 = arith.constant 0 : i32
    %dma_start3A_98 = arith.constant 0 : i32
    %dma_start3A_99 = tpu.memref_slice %arg4[%add3A_94, %dma_start3A_97, %dma_start3A_98] : memref<1024x720x128xf32, #tpu.memory_space<hbm>> -> memref<1x720x128xf32, #tpu.memory_space<hbm>>
    %dma_start3A_100 = tpu.memref_squeeze %dma_start3A_99 : memref<1x720x128xf32, #tpu.memory_space<hbm>> -> memref<720x128xf32, #tpu.memory_space<hbm>>
    %dma_start3A_101 = arith.constant 0 : i32
    %dma_start3A_102 = arith.constant 0 : i32
    %dma_start3A_103 = tpu.memref_slice %arg4[%add3A_94, %dma_start3A_101, %dma_start3A_102] : memref<1024x720x128xf32, #tpu.memory_space<hbm>> -> memref<1x720x128xf32, #tpu.memory_space<hbm>>
    %dma_start3A_104 = tpu.memref_squeeze %dma_start3A_103 : memref<1x720x128xf32, #tpu.memory_space<hbm>> -> memref<720x128xf32, #tpu.memory_space<hbm>>
    %dma_start3A_105 = arith.constant 0 : i32
    %dma_start3A_106 = tpu.memref_slice %arg6[%squeeze3A, %dma_start3A_105] : memref<888x128xf32, #tpu.memory_space<vmem>> -> memref<720x128xf32, #tpu.memory_space<vmem>>
    tpu.enqueue_dma source(%dma_start3A_106 : memref<720x128xf32, #tpu.memory_space<vmem>>) target(%dma_start3A_104 : memref<720x128xf32, #tpu.memory_space<hbm>>) target_semaphore(%arg7 : memref<!tpu.dma_semaphore, #tpu.memory_space<semaphore_mem>>)
    %slice3A_107 = vector.extract_strided_slice %get3A_90 {offsets = [1], sizes = [1], strides = [1]} : vector<16xi32> to vector<1xi32>
    %squeeze3A_108 = vector.extract %slice3A_107[0] : i32 from vector<1xi32>
    %add3A_109 = arith.constant 0 : i32
    %add3A_110 = arith.addi %mul3A_2, %add3A_109 : i32
    %add3A_111 = arith.constant 1 : i32
    %add3A_112 = arith.addi %add3A_110, %add3A_111 : i32
    %dma_start3A_113 = arith.constant 0 : i32
    %dma_start3A_114 = tpu.memref_slice %arg6[%squeeze3A_108, %dma_start3A_113] : memref<888x128xf32, #tpu.memory_space<vmem>> -> memref<720x128xf32, #tpu.memory_space<vmem>>
    %dma_start3A_115 = arith.constant 0 : i32
    %dma_start3A_116 = arith.constant 0 : i32
    %dma_start3A_117 = tpu.memref_slice %arg4[%add3A_112, %dma_start3A_115, %dma_start3A_116] : memref<1024x720x128xf32, #tpu.memory_space<hbm>> -> memref<1x720x128xf32, #tpu.memory_space<hbm>>
    %dma_start3A_118 = tpu.memref_squeeze %dma_start3A_117 : memref<1x720x128xf32, #tpu.memory_space<hbm>> -> memref<720x128xf32, #tpu.memory_space<hbm>>
    %dma_start3A_119 = arith.constant 0 : i32
    %dma_start3A_120 = arith.constant 0 : i32
    %dma_start3A_121 = tpu.memref_slice %arg4[%add3A_112, %dma_start3A_119, %dma_start3A_120] : memref<1024x720x128xf32, #tpu.memory_space<hbm>> -> memref<1x720x128xf32, #tpu.memory_space<hbm>>
    %dma_start3A_122 = tpu.memref_squeeze %dma_start3A_121 : memref<1x720x128xf32, #tpu.memory_space<hbm>> -> memref<720x128xf32, #tpu.memory_space<hbm>>
    %dma_start3A_123 = arith.constant 0 : i32
    %dma_start3A_124 = tpu.memref_slice %arg6[%squeeze3A_108, %dma_start3A_123] : memref<888x128xf32, #tpu.memory_space<vmem>> -> memref<720x128xf32, #tpu.memory_space<vmem>>
    tpu.enqueue_dma source(%dma_start3A_124 : memref<720x128xf32, #tpu.memory_space<vmem>>) target(%dma_start3A_122 : memref<720x128xf32, #tpu.memory_space<hbm>>) target_semaphore(%arg7 : memref<!tpu.dma_semaphore, #tpu.memory_space<semaphore_mem>>)
    %slice3A_125 = vector.extract_strided_slice %get3A_90 {offsets = [2], sizes = [1], strides = [1]} : vector<16xi32> to vector<1xi32>
    %squeeze3A_126 = vector.extract %slice3A_125[0] : i32 from vector<1xi32>
    %add3A_127 = arith.constant 0 : i32
    %add3A_128 = arith.addi %mul3A_2, %add3A_127 : i32
    %add3A_129 = arith.constant 2 : i32
    %add3A_130 = arith.addi %add3A_128, %add3A_129 : i32
    %dma_start3A_131 = arith.constant 0 : i32
    %dma_start3A_132 = tpu.memref_slice %arg6[%squeeze3A_126, %dma_start3A_131] : memref<888x128xf32, #tpu.memory_space<vmem>> -> memref<720x128xf32, #tpu.memory_space<vmem>>
    %dma_start3A_133 = arith.constant 0 : i32
    %dma_start3A_134 = arith.constant 0 : i32
    %dma_start3A_135 = tpu.memref_slice %arg4[%add3A_130, %dma_start3A_133, %dma_start3A_134] : memref<1024x720x128xf32, #tpu.memory_space<hbm>> -> memref<1x720x128xf32, #tpu.memory_space<hbm>>
    %dma_start3A_136 = tpu.memref_squeeze %dma_start3A_135 : memref<1x720x128xf32, #tpu.memory_space<hbm>> -> memref<720x128xf32, #tpu.memory_space<hbm>>
    %dma_start3A_137 = arith.constant 0 : i32
    %dma_start3A_138 = arith.constant 0 : i32
    %dma_start3A_139 = tpu.memref_slice %arg4[%add3A_130, %dma_start3A_137, %dma_start3A_138] : memref<1024x720x128xf32, #tpu.memory_space<hbm>> -> memref<1x720x128xf32, #tpu.memory_space<hbm>>
    %dma_start3A_140 = tpu.memref_squeeze %dma_start3A_139 : memref<1x720x128xf32, #tpu.memory_space<hbm>> -> memref<720x128xf32, #tpu.memory_space<hbm>>
    %dma_start3A_141 = arith.constant 0 : i32
    %dma_start3A_142 = tpu.memref_slice %arg6[%squeeze3A_126, %dma_start3A_141] : memref<888x128xf32, #tpu.memory_space<vmem>> -> memref<720x128xf32, #tpu.memory_space<vmem>>
    tpu.enqueue_dma source(%dma_start3A_142 : memref<720x128xf32, #tpu.memory_space<vmem>>) target(%dma_start3A_140 : memref<720x128xf32, #tpu.memory_space<hbm>>) target_semaphore(%arg7 : memref<!tpu.dma_semaphore, #tpu.memory_space<semaphore_mem>>)
    %slice3A_143 = vector.extract_strided_slice %get3A_90 {offsets = [3], sizes = [1], strides = [1]} : vector<16xi32> to vector<1xi32>
    %squeeze3A_144 = vector.extract %slice3A_143[0] : i32 from vector<1xi32>
    %add3A_145 = arith.constant 0 : i32
    %add3A_146 = arith.addi %mul3A_2, %add3A_145 : i32
    %add3A_147 = arith.constant 3 : i32
    %add3A_148 = arith.addi %add3A_146, %add3A_147 : i32
    %dma_start3A_149 = arith.constant 0 : i32
    %dma_start3A_150 = tpu.memref_slice %arg6[%squeeze3A_144, %dma_start3A_149] : memref<888x128xf32, #tpu.memory_space<vmem>> -> memref<720x128xf32, #tpu.memory_space<vmem>>
    %dma_start3A_151 = arith.constant 0 : i32
    %dma_start3A_152 = arith.constant 0 : i32
    %dma_start3A_153 = tpu.memref_slice %arg4[%add3A_148, %dma_start3A_151, %dma_start3A_152] : memref<1024x720x128xf32, #tpu.memory_space<hbm>> -> memref<1x720x128xf32, #tpu.memory_space<hbm>>
    %dma_start3A_154 = tpu.memref_squeeze %dma_start3A_153 : memref<1x720x128xf32, #tpu.memory_space<hbm>> -> memref<720x128xf32, #tpu.memory_space<hbm>>
    %dma_start3A_155 = arith.constant 0 : i32
    %dma_start3A_156 = arith.constant 0 : i32
    %dma_start3A_157 = tpu.memref_slice %arg4[%add3A_148, %dma_start3A_155, %dma_start3A_156] : memref<1024x720x128xf32, #tpu.memory_space<hbm>> -> memref<1x720x128xf32, #tpu.memory_space<hbm>>
    %dma_start3A_158 = tpu.memref_squeeze %dma_start3A_157 : memref<1x720x128xf32, #tpu.memory_space<hbm>> -> memref<720x128xf32, #tpu.memory_space<hbm>>
    %dma_start3A_159 = arith.constant 0 : i32
    %dma_start3A_160 = tpu.memref_slice %arg6[%squeeze3A_144, %dma_start3A_159] : memref<888x128xf32, #tpu.memory_space<vmem>> -> memref<720x128xf32, #tpu.memory_space<vmem>>
    tpu.enqueue_dma source(%dma_start3A_160 : memref<720x128xf32, #tpu.memory_space<vmem>>) target(%dma_start3A_158 : memref<720x128xf32, #tpu.memory_space<hbm>>) target_semaphore(%arg7 : memref<!tpu.dma_semaphore, #tpu.memory_space<semaphore_mem>>)
    %slice3A_161 = vector.extract_strided_slice %get3A_90 {offsets = [4], sizes = [1], strides = [1]} : vector<16xi32> to vector<1xi32>
    %squeeze3A_162 = vector.extract %slice3A_161[0] : i32 from vector<1xi32>
    %add3A_163 = arith.constant 0 : i32
    %add3A_164 = arith.addi %mul3A_2, %add3A_163 : i32
    %add3A_165 = arith.constant 4 : i32
    %add3A_166 = arith.addi %add3A_164, %add3A_165 : i32
    %dma_start3A_167 = arith.constant 0 : i32
    %dma_start3A_168 = tpu.memref_slice %arg6[%squeeze3A_162, %dma_start3A_167] : memref<888x128xf32, #tpu.memory_space<vmem>> -> memref<720x128xf32, #tpu.memory_space<vmem>>
    %dma_start3A_169 = arith.constant 0 : i32
    %dma_start3A_170 = arith.constant 0 : i32
    %dma_start3A_171 = tpu.memref_slice %arg4[%add3A_166, %dma_start3A_169, %dma_start3A_170] : memref<1024x720x128xf32, #tpu.memory_space<hbm>> -> memref<1x720x128xf32, #tpu.memory_space<hbm>>
    %dma_start3A_172 = tpu.memref_squeeze %dma_start3A_171 : memref<1x720x128xf32, #tpu.memory_space<hbm>> -> memref<720x128xf32, #tpu.memory_space<hbm>>
    %dma_start3A_173 = arith.constant 0 : i32
    %dma_start3A_174 = arith.constant 0 : i32
    %dma_start3A_175 = tpu.memref_slice %arg4[%add3A_166, %dma_start3A_173, %dma_start3A_174] : memref<1024x720x128xf32, #tpu.memory_space<hbm>> -> memref<1x720x128xf32, #tpu.memory_space<hbm>>
    %dma_start3A_176 = tpu.memref_squeeze %dma_start3A_175 : memref<1x720x128xf32, #tpu.memory_space<hbm>> -> memref<720x128xf32, #tpu.memory_space<hbm>>
    %dma_start3A_177 = arith.constant 0 : i32
    %dma_start3A_178 = tpu.memref_slice %arg6[%squeeze3A_162, %dma_start3A_177] : memref<888x128xf32, #tpu.memory_space<vmem>> -> memref<720x128xf32, #tpu.memory_space<vmem>>
    tpu.enqueue_dma source(%dma_start3A_178 : memref<720x128xf32, #tpu.memory_space<vmem>>) target(%dma_start3A_176 : memref<720x128xf32, #tpu.memory_space<hbm>>) target_semaphore(%arg7 : memref<!tpu.dma_semaphore, #tpu.memory_space<semaphore_mem>>)
    %slice3A_179 = vector.extract_strided_slice %get3A_90 {offsets = [5], sizes = [1], strides = [1]} : vector<16xi32> to vector<1xi32>
    %squeeze3A_180 = vector.extract %slice3A_179[0] : i32 from vector<1xi32>
    %add3A_181 = arith.constant 0 : i32
    %add3A_182 = arith.addi %mul3A_2, %add3A_181 : i32
    %add3A_183 = arith.constant 5 : i32
    %add3A_184 = arith.addi %add3A_182, %add3A_183 : i32
    %dma_start3A_185 = arith.constant 0 : i32
    %dma_start3A_186 = tpu.memref_slice %arg6[%squeeze3A_180, %dma_start3A_185] : memref<888x128xf32, #tpu.memory_space<vmem>> -> memref<720x128xf32, #tpu.memory_space<vmem>>
    %dma_start3A_187 = arith.constant 0 : i32
    %dma_start3A_188 = arith.constant 0 : i32
    %dma_start3A_189 = tpu.memref_slice %arg4[%add3A_184, %dma_start3A_187, %dma_start3A_188] : memref<1024x720x128xf32, #tpu.memory_space<hbm>> -> memref<1x720x128xf32, #tpu.memory_space<hbm>>
    %dma_start3A_190 = tpu.memref_squeeze %dma_start3A_189 : memref<1x720x128xf32, #tpu.memory_space<hbm>> -> memref<720x128xf32, #tpu.memory_space<hbm>>
    %dma_start3A_191 = arith.constant 0 : i32
    %dma_start3A_192 = arith.constant 0 : i32
    %dma_start3A_193 = tpu.memref_slice %arg4[%add3A_184, %dma_start3A_191, %dma_start3A_192] : memref<1024x720x128xf32, #tpu.memory_space<hbm>> -> memref<1x720x128xf32, #tpu.memory_space<hbm>>
    %dma_start3A_194 = tpu.memref_squeeze %dma_start3A_193 : memref<1x720x128xf32, #tpu.memory_space<hbm>> -> memref<720x128xf32, #tpu.memory_space<hbm>>
    %dma_start3A_195 = arith.constant 0 : i32
    %dma_start3A_196 = tpu.memref_slice %arg6[%squeeze3A_180, %dma_start3A_195] : memref<888x128xf32, #tpu.memory_space<vmem>> -> memref<720x128xf32, #tpu.memory_space<vmem>>
    tpu.enqueue_dma source(%dma_start3A_196 : memref<720x128xf32, #tpu.memory_space<vmem>>) target(%dma_start3A_194 : memref<720x128xf32, #tpu.memory_space<hbm>>) target_semaphore(%arg7 : memref<!tpu.dma_semaphore, #tpu.memory_space<semaphore_mem>>)
    %slice3A_197 = vector.extract_strided_slice %get3A_90 {offsets = [6], sizes = [1], strides = [1]} : vector<16xi32> to vector<1xi32>
    %squeeze3A_198 = vector.extract %slice3A_197[0] : i32 from vector<1xi32>
    %add3A_199 = arith.constant 0 : i32
    %add3A_200 = arith.addi %mul3A_2, %add3A_199 : i32
    %add3A_201 = arith.constant 6 : i32
    %add3A_202 = arith.addi %add3A_200, %add3A_201 : i32
    %dma_start3A_203 = arith.constant 0 : i32
    %dma_start3A_204 = tpu.memref_slice %arg6[%squeeze3A_198, %dma_start3A_203] : memref<888x128xf32, #tpu.memory_space<vmem>> -> memref<720x128xf32, #tpu.memory_space<vmem>>
    %dma_start3A_205 = arith.constant 0 : i32
    %dma_start3A_206 = arith.constant 0 : i32
    %dma_start3A_207 = tpu.memref_slice %arg4[%add3A_202, %dma_start3A_205, %dma_start3A_206] : memref<1024x720x128xf32, #tpu.memory_space<hbm>> -> memref<1x720x128xf32, #tpu.memory_space<hbm>>
    %dma_start3A_208 = tpu.memref_squeeze %dma_start3A_207 : memref<1x720x128xf32, #tpu.memory_space<hbm>> -> memref<720x128xf32, #tpu.memory_space<hbm>>
    %dma_start3A_209 = arith.constant 0 : i32
    %dma_start3A_210 = arith.constant 0 : i32
    %dma_start3A_211 = tpu.memref_slice %arg4[%add3A_202, %dma_start3A_209, %dma_start3A_210] : memref<1024x720x128xf32, #tpu.memory_space<hbm>> -> memref<1x720x128xf32, #tpu.memory_space<hbm>>
    %dma_start3A_212 = tpu.memref_squeeze %dma_start3A_211 : memref<1x720x128xf32, #tpu.memory_space<hbm>> -> memref<720x128xf32, #tpu.memory_space<hbm>>
    %dma_start3A_213 = arith.constant 0 : i32
    %dma_start3A_214 = tpu.memref_slice %arg6[%squeeze3A_198, %dma_start3A_213] : memref<888x128xf32, #tpu.memory_space<vmem>> -> memref<720x128xf32, #tpu.memory_space<vmem>>
    tpu.enqueue_dma source(%dma_start3A_214 : memref<720x128xf32, #tpu.memory_space<vmem>>) target(%dma_start3A_212 : memref<720x128xf32, #tpu.memory_space<hbm>>) target_semaphore(%arg7 : memref<!tpu.dma_semaphore, #tpu.memory_space<semaphore_mem>>)
    %slice3A_215 = vector.extract_strided_slice %get3A_90 {offsets = [7], sizes = [1], strides = [1]} : vector<16xi32> to vector<1xi32>
    %squeeze3A_216 = vector.extract %slice3A_215[0] : i32 from vector<1xi32>
    %add3A_217 = arith.constant 0 : i32
    %add3A_218 = arith.addi %mul3A_2, %add3A_217 : i32
    %add3A_219 = arith.constant 7 : i32
    %add3A_220 = arith.addi %add3A_218, %add3A_219 : i32
    %dma_start3A_221 = arith.constant 0 : i32
    %dma_start3A_222 = tpu.memref_slice %arg6[%squeeze3A_216, %dma_start3A_221] : memref<888x128xf32, #tpu.memory_space<vmem>> -> memref<720x128xf32, #tpu.memory_space<vmem>>
    %dma_start3A_223 = arith.constant 0 : i32
    %dma_start3A_224 = arith.constant 0 : i32
    %dma_start3A_225 = tpu.memref_slice %arg4[%add3A_220, %dma_start3A_223, %dma_start3A_224] : memref<1024x720x128xf32, #tpu.memory_space<hbm>> -> memref<1x720x128xf32, #tpu.memory_space<hbm>>
    %dma_start3A_226 = tpu.memref_squeeze %dma_start3A_225 : memref<1x720x128xf32, #tpu.memory_space<hbm>> -> memref<720x128xf32, #tpu.memory_space<hbm>>
    %dma_start3A_227 = arith.constant 0 : i32
    %dma_start3A_228 = arith.constant 0 : i32
    %dma_start3A_229 = tpu.memref_slice %arg4[%add3A_220, %dma_start3A_227, %dma_start3A_228] : memref<1024x720x128xf32, #tpu.memory_space<hbm>> -> memref<1x720x128xf32, #tpu.memory_space<hbm>>
    %dma_start3A_230 = tpu.memref_squeeze %dma_start3A_229 : memref<1x720x128xf32, #tpu.memory_space<hbm>> -> memref<720x128xf32, #tpu.memory_space<hbm>>
    %dma_start3A_231 = arith.constant 0 : i32
    %dma_start3A_232 = tpu.memref_slice %arg6[%squeeze3A_216, %dma_start3A_231] : memref<888x128xf32, #tpu.memory_space<vmem>> -> memref<720x128xf32, #tpu.memory_space<vmem>>
    tpu.enqueue_dma source(%dma_start3A_232 : memref<720x128xf32, #tpu.memory_space<vmem>>) target(%dma_start3A_230 : memref<720x128xf32, #tpu.memory_space<hbm>>) target_semaphore(%arg7 : memref<!tpu.dma_semaphore, #tpu.memory_space<semaphore_mem>>)
    %slice3A_233 = vector.extract_strided_slice %get3A_90 {offsets = [8], sizes = [1], strides = [1]} : vector<16xi32> to vector<1xi32>
    %squeeze3A_234 = vector.extract %slice3A_233[0] : i32 from vector<1xi32>
    %add3A_235 = arith.constant 0 : i32
    %add3A_236 = arith.addi %mul3A_2, %add3A_235 : i32
    %add3A_237 = arith.constant 8 : i32
    %add3A_238 = arith.addi %add3A_236, %add3A_237 : i32
    %dma_start3A_239 = arith.constant 0 : i32
    %dma_start3A_240 = tpu.memref_slice %arg6[%squeeze3A_234, %dma_start3A_239] : memref<888x128xf32, #tpu.memory_space<vmem>> -> memref<720x128xf32, #tpu.memory_space<vmem>>
    %dma_start3A_241 = arith.constant 0 : i32
    %dma_start3A_242 = arith.constant 0 : i32
    %dma_start3A_243 = tpu.memref_slice %arg4[%add3A_238, %dma_start3A_241, %dma_start3A_242] : memref<1024x720x128xf32, #tpu.memory_space<hbm>> -> memref<1x720x128xf32, #tpu.memory_space<hbm>>
    %dma_start3A_244 = tpu.memref_squeeze %dma_start3A_243 : memref<1x720x128xf32, #tpu.memory_space<hbm>> -> memref<720x128xf32, #tpu.memory_space<hbm>>
    %dma_start3A_245 = arith.constant 0 : i32
    %dma_start3A_246 = arith.constant 0 : i32
    %dma_start3A_247 = tpu.memref_slice %arg4[%add3A_238, %dma_start3A_245, %dma_start3A_246] : memref<1024x720x128xf32, #tpu.memory_space<hbm>> -> memref<1x720x128xf32, #tpu.memory_space<hbm>>
    %dma_start3A_248 = tpu.memref_squeeze %dma_start3A_247 : memref<1x720x128xf32, #tpu.memory_space<hbm>> -> memref<720x128xf32, #tpu.memory_space<hbm>>
    %dma_start3A_249 = arith.constant 0 : i32
    %dma_start3A_250 = tpu.memref_slice %arg6[%squeeze3A_234, %dma_start3A_249] : memref<888x128xf32, #tpu.memory_space<vmem>> -> memref<720x128xf32, #tpu.memory_space<vmem>>
    tpu.enqueue_dma source(%dma_start3A_250 : memref<720x128xf32, #tpu.memory_space<vmem>>) target(%dma_start3A_248 : memref<720x128xf32, #tpu.memory_space<hbm>>) target_semaphore(%arg7 : memref<!tpu.dma_semaphore, #tpu.memory_space<semaphore_mem>>)
    %slice3A_251 = vector.extract_strided_slice %get3A_90 {offsets = [9], sizes = [1], strides = [1]} : vector<16xi32> to vector<1xi32>
    %squeeze3A_252 = vector.extract %slice3A_251[0] : i32 from vector<1xi32>
    %add3A_253 = arith.constant 0 : i32
    %add3A_254 = arith.addi %mul3A_2, %add3A_253 : i32
    %add3A_255 = arith.constant 9 : i32
    %add3A_256 = arith.addi %add3A_254, %add3A_255 : i32
    %dma_start3A_257 = arith.constant 0 : i32
    %dma_start3A_258 = tpu.memref_slice %arg6[%squeeze3A_252, %dma_start3A_257] : memref<888x128xf32, #tpu.memory_space<vmem>> -> memref<720x128xf32, #tpu.memory_space<vmem>>
    %dma_start3A_259 = arith.constant 0 : i32
    %dma_start3A_260 = arith.constant 0 : i32
    %dma_start3A_261 = tpu.memref_slice %arg4[%add3A_256, %dma_start3A_259, %dma_start3A_260] : memref<1024x720x128xf32, #tpu.memory_space<hbm>> -> memref<1x720x128xf32, #tpu.memory_space<hbm>>
    %dma_start3A_262 = tpu.memref_squeeze %dma_start3A_261 : memref<1x720x128xf32, #tpu.memory_space<hbm>> -> memref<720x128xf32, #tpu.memory_space<hbm>>
    %dma_start3A_263 = arith.constant 0 : i32
    %dma_start3A_264 = arith.constant 0 : i32
    %dma_start3A_265 = tpu.memref_slice %arg4[%add3A_256, %dma_start3A_263, %dma_start3A_264] : memref<1024x720x128xf32, #tpu.memory_space<hbm>> -> memref<1x720x128xf32, #tpu.memory_space<hbm>>
    %dma_start3A_266 = tpu.memref_squeeze %dma_start3A_265 : memref<1x720x128xf32, #tpu.memory_space<hbm>> -> memref<720x128xf32, #tpu.memory_space<hbm>>
    %dma_start3A_267 = arith.constant 0 : i32
    %dma_start3A_268 = tpu.memref_slice %arg6[%squeeze3A_252, %dma_start3A_267] : memref<888x128xf32, #tpu.memory_space<vmem>> -> memref<720x128xf32, #tpu.memory_space<vmem>>
    tpu.enqueue_dma source(%dma_start3A_268 : memref<720x128xf32, #tpu.memory_space<vmem>>) target(%dma_start3A_266 : memref<720x128xf32, #tpu.memory_space<hbm>>) target_semaphore(%arg7 : memref<!tpu.dma_semaphore, #tpu.memory_space<semaphore_mem>>)
    %slice3A_269 = vector.extract_strided_slice %get3A_90 {offsets = [10], sizes = [1], strides = [1]} : vector<16xi32> to vector<1xi32>
    %squeeze3A_270 = vector.extract %slice3A_269[0] : i32 from vector<1xi32>
    %add3A_271 = arith.constant 0 : i32
    %add3A_272 = arith.addi %mul3A_2, %add3A_271 : i32
    %add3A_273 = arith.constant 10 : i32
    %add3A_274 = arith.addi %add3A_272, %add3A_273 : i32
    %dma_start3A_275 = arith.constant 0 : i32
    %dma_start3A_276 = tpu.memref_slice %arg6[%squeeze3A_270, %dma_start3A_275] : memref<888x128xf32, #tpu.memory_space<vmem>> -> memref<720x128xf32, #tpu.memory_space<vmem>>
    %dma_start3A_277 = arith.constant 0 : i32
    %dma_start3A_278 = arith.constant 0 : i32
    %dma_start3A_279 = tpu.memref_slice %arg4[%add3A_274, %dma_start3A_277, %dma_start3A_278] : memref<1024x720x128xf32, #tpu.memory_space<hbm>> -> memref<1x720x128xf32, #tpu.memory_space<hbm>>
    %dma_start3A_280 = tpu.memref_squeeze %dma_start3A_279 : memref<1x720x128xf32, #tpu.memory_space<hbm>> -> memref<720x128xf32, #tpu.memory_space<hbm>>
    %dma_start3A_281 = arith.constant 0 : i32
    %dma_start3A_282 = arith.constant 0 : i32
    %dma_start3A_283 = tpu.memref_slice %arg4[%add3A_274, %dma_start3A_281, %dma_start3A_282] : memref<1024x720x128xf32, #tpu.memory_space<hbm>> -> memref<1x720x128xf32, #tpu.memory_space<hbm>>
    %dma_start3A_284 = tpu.memref_squeeze %dma_start3A_283 : memref<1x720x128xf32, #tpu.memory_space<hbm>> -> memref<720x128xf32, #tpu.memory_space<hbm>>
    %dma_start3A_285 = arith.constant 0 : i32
    %dma_start3A_286 = tpu.memref_slice %arg6[%squeeze3A_270, %dma_start3A_285] : memref<888x128xf32, #tpu.memory_space<vmem>> -> memref<720x128xf32, #tpu.memory_space<vmem>>
    tpu.enqueue_dma source(%dma_start3A_286 : memref<720x128xf32, #tpu.memory_space<vmem>>) target(%dma_start3A_284 : memref<720x128xf32, #tpu.memory_space<hbm>>) target_semaphore(%arg7 : memref<!tpu.dma_semaphore, #tpu.memory_space<semaphore_mem>>)
    %slice3A_287 = vector.extract_strided_slice %get3A_90 {offsets = [11], sizes = [1], strides = [1]} : vector<16xi32> to vector<1xi32>
    %squeeze3A_288 = vector.extract %slice3A_287[0] : i32 from vector<1xi32>
    %add3A_289 = arith.constant 0 : i32
    %add3A_290 = arith.addi %mul3A_2, %add3A_289 : i32
    %add3A_291 = arith.constant 11 : i32
    %add3A_292 = arith.addi %add3A_290, %add3A_291 : i32
    %dma_start3A_293 = arith.constant 0 : i32
    %dma_start3A_294 = tpu.memref_slice %arg6[%squeeze3A_288, %dma_start3A_293] : memref<888x128xf32, #tpu.memory_space<vmem>> -> memref<720x128xf32, #tpu.memory_space<vmem>>
    %dma_start3A_295 = arith.constant 0 : i32
    %dma_start3A_296 = arith.constant 0 : i32
    %dma_start3A_297 = tpu.memref_slice %arg4[%add3A_292, %dma_start3A_295, %dma_start3A_296] : memref<1024x720x128xf32, #tpu.memory_space<hbm>> -> memref<1x720x128xf32, #tpu.memory_space<hbm>>
    %dma_start3A_298 = tpu.memref_squeeze %dma_start3A_297 : memref<1x720x128xf32, #tpu.memory_space<hbm>> -> memref<720x128xf32, #tpu.memory_space<hbm>>
    %dma_start3A_299 = arith.constant 0 : i32
    %dma_start3A_300 = arith.constant 0 : i32
    %dma_start3A_301 = tpu.memref_slice %arg4[%add3A_292, %dma_start3A_299, %dma_start3A_300] : memref<1024x720x128xf32, #tpu.memory_space<hbm>> -> memref<1x720x128xf32, #tpu.memory_space<hbm>>
    %dma_start3A_302 = tpu.memref_squeeze %dma_start3A_301 : memref<1x720x128xf32, #tpu.memory_space<hbm>> -> memref<720x128xf32, #tpu.memory_space<hbm>>
    %dma_start3A_303 = arith.constant 0 : i32
    %dma_start3A_304 = tpu.memref_slice %arg6[%squeeze3A_288, %dma_start3A_303] : memref<888x128xf32, #tpu.memory_space<vmem>> -> memref<720x128xf32, #tpu.memory_space<vmem>>
    tpu.enqueue_dma source(%dma_start3A_304 : memref<720x128xf32, #tpu.memory_space<vmem>>) target(%dma_start3A_302 : memref<720x128xf32, #tpu.memory_space<hbm>>) target_semaphore(%arg7 : memref<!tpu.dma_semaphore, #tpu.memory_space<semaphore_mem>>)
    %slice3A_305 = vector.extract_strided_slice %get3A_90 {offsets = [12], sizes = [1], strides = [1]} : vector<16xi32> to vector<1xi32>
    %squeeze3A_306 = vector.extract %slice3A_305[0] : i32 from vector<1xi32>
    %add3A_307 = arith.constant 0 : i32
    %add3A_308 = arith.addi %mul3A_2, %add3A_307 : i32
    %add3A_309 = arith.constant 12 : i32
    %add3A_310 = arith.addi %add3A_308, %add3A_309 : i32
    %dma_start3A_311 = arith.constant 0 : i32
    %dma_start3A_312 = tpu.memref_slice %arg6[%squeeze3A_306, %dma_start3A_311] : memref<888x128xf32, #tpu.memory_space<vmem>> -> memref<720x128xf32, #tpu.memory_space<vmem>>
    %dma_start3A_313 = arith.constant 0 : i32
    %dma_start3A_314 = arith.constant 0 : i32
    %dma_start3A_315 = tpu.memref_slice %arg4[%add3A_310, %dma_start3A_313, %dma_start3A_314] : memref<1024x720x128xf32, #tpu.memory_space<hbm>> -> memref<1x720x128xf32, #tpu.memory_space<hbm>>
    %dma_start3A_316 = tpu.memref_squeeze %dma_start3A_315 : memref<1x720x128xf32, #tpu.memory_space<hbm>> -> memref<720x128xf32, #tpu.memory_space<hbm>>
    %dma_start3A_317 = arith.constant 0 : i32
    %dma_start3A_318 = arith.constant 0 : i32
    %dma_start3A_319 = tpu.memref_slice %arg4[%add3A_310, %dma_start3A_317, %dma_start3A_318] : memref<1024x720x128xf32, #tpu.memory_space<hbm>> -> memref<1x720x128xf32, #tpu.memory_space<hbm>>
    %dma_start3A_320 = tpu.memref_squeeze %dma_start3A_319 : memref<1x720x128xf32, #tpu.memory_space<hbm>> -> memref<720x128xf32, #tpu.memory_space<hbm>>
    %dma_start3A_321 = arith.constant 0 : i32
    %dma_start3A_322 = tpu.memref_slice %arg6[%squeeze3A_306, %dma_start3A_321] : memref<888x128xf32, #tpu.memory_space<vmem>> -> memref<720x128xf32, #tpu.memory_space<vmem>>
    tpu.enqueue_dma source(%dma_start3A_322 : memref<720x128xf32, #tpu.memory_space<vmem>>) target(%dma_start3A_320 : memref<720x128xf32, #tpu.memory_space<hbm>>) target_semaphore(%arg7 : memref<!tpu.dma_semaphore, #tpu.memory_space<semaphore_mem>>)
    %slice3A_323 = vector.extract_strided_slice %get3A_90 {offsets = [13], sizes = [1], strides = [1]} : vector<16xi32> to vector<1xi32>
    %squeeze3A_324 = vector.extract %slice3A_323[0] : i32 from vector<1xi32>
    %add3A_325 = arith.constant 0 : i32
    %add3A_326 = arith.addi %mul3A_2, %add3A_325 : i32
    %add3A_327 = arith.constant 13 : i32
    %add3A_328 = arith.addi %add3A_326, %add3A_327 : i32
    %dma_start3A_329 = arith.constant 0 : i32
    %dma_start3A_330 = tpu.memref_slice %arg6[%squeeze3A_324, %dma_start3A_329] : memref<888x128xf32, #tpu.memory_space<vmem>> -> memref<720x128xf32, #tpu.memory_space<vmem>>
    %dma_start3A_331 = arith.constant 0 : i32
    %dma_start3A_332 = arith.constant 0 : i32
    %dma_start3A_333 = tpu.memref_slice %arg4[%add3A_328, %dma_start3A_331, %dma_start3A_332] : memref<1024x720x128xf32, #tpu.memory_space<hbm>> -> memref<1x720x128xf32, #tpu.memory_space<hbm>>
    %dma_start3A_334 = tpu.memref_squeeze %dma_start3A_333 : memref<1x720x128xf32, #tpu.memory_space<hbm>> -> memref<720x128xf32, #tpu.memory_space<hbm>>
    %dma_start3A_335 = arith.constant 0 : i32
    %dma_start3A_336 = arith.constant 0 : i32
    %dma_start3A_337 = tpu.memref_slice %arg4[%add3A_328, %dma_start3A_335, %dma_start3A_336] : memref<1024x720x128xf32, #tpu.memory_space<hbm>> -> memref<1x720x128xf32, #tpu.memory_space<hbm>>
    %dma_start3A_338 = tpu.memref_squeeze %dma_start3A_337 : memref<1x720x128xf32, #tpu.memory_space<hbm>> -> memref<720x128xf32, #tpu.memory_space<hbm>>
    %dma_start3A_339 = arith.constant 0 : i32
    %dma_start3A_340 = tpu.memref_slice %arg6[%squeeze3A_324, %dma_start3A_339] : memref<888x128xf32, #tpu.memory_space<vmem>> -> memref<720x128xf32, #tpu.memory_space<vmem>>
    tpu.enqueue_dma source(%dma_start3A_340 : memref<720x128xf32, #tpu.memory_space<vmem>>) target(%dma_start3A_338 : memref<720x128xf32, #tpu.memory_space<hbm>>) target_semaphore(%arg7 : memref<!tpu.dma_semaphore, #tpu.memory_space<semaphore_mem>>)
    %slice3A_341 = vector.extract_strided_slice %get3A_90 {offsets = [14], sizes = [1], strides = [1]} : vector<16xi32> to vector<1xi32>
    %squeeze3A_342 = vector.extract %slice3A_341[0] : i32 from vector<1xi32>
    %add3A_343 = arith.constant 0 : i32
    %add3A_344 = arith.addi %mul3A_2, %add3A_343 : i32
    %add3A_345 = arith.constant 14 : i32
    %add3A_346 = arith.addi %add3A_344, %add3A_345 : i32
    %dma_start3A_347 = arith.constant 0 : i32
    %dma_start3A_348 = tpu.memref_slice %arg6[%squeeze3A_342, %dma_start3A_347] : memref<888x128xf32, #tpu.memory_space<vmem>> -> memref<720x128xf32, #tpu.memory_space<vmem>>
    %dma_start3A_349 = arith.constant 0 : i32
    %dma_start3A_350 = arith.constant 0 : i32
    %dma_start3A_351 = tpu.memref_slice %arg4[%add3A_346, %dma_start3A_349, %dma_start3A_350] : memref<1024x720x128xf32, #tpu.memory_space<hbm>> -> memref<1x720x128xf32, #tpu.memory_space<hbm>>
    %dma_start3A_352 = tpu.memref_squeeze %dma_start3A_351 : memref<1x720x128xf32, #tpu.memory_space<hbm>> -> memref<720x128xf32, #tpu.memory_space<hbm>>
    %dma_start3A_353 = arith.constant 0 : i32
    %dma_start3A_354 = arith.constant 0 : i32
    %dma_start3A_355 = tpu.memref_slice %arg4[%add3A_346, %dma_start3A_353, %dma_start3A_354] : memref<1024x720x128xf32, #tpu.memory_space<hbm>> -> memref<1x720x128xf32, #tpu.memory_space<hbm>>
    %dma_start3A_356 = tpu.memref_squeeze %dma_start3A_355 : memref<1x720x128xf32, #tpu.memory_space<hbm>> -> memref<720x128xf32, #tpu.memory_space<hbm>>
    %dma_start3A_357 = arith.constant 0 : i32
    %dma_start3A_358 = tpu.memref_slice %arg6[%squeeze3A_342, %dma_start3A_357] : memref<888x128xf32, #tpu.memory_space<vmem>> -> memref<720x128xf32, #tpu.memory_space<vmem>>
    tpu.enqueue_dma source(%dma_start3A_358 : memref<720x128xf32, #tpu.memory_space<vmem>>) target(%dma_start3A_356 : memref<720x128xf32, #tpu.memory_space<hbm>>) target_semaphore(%arg7 : memref<!tpu.dma_semaphore, #tpu.memory_space<semaphore_mem>>)
    %slice3A_359 = vector.extract_strided_slice %get3A_90 {offsets = [15], sizes = [1], strides = [1]} : vector<16xi32> to vector<1xi32>
    %squeeze3A_360 = vector.extract %slice3A_359[0] : i32 from vector<1xi32>
    %add3A_361 = arith.constant 0 : i32
    %add3A_362 = arith.addi %mul3A_2, %add3A_361 : i32
    %add3A_363 = arith.constant 15 : i32
    %add3A_364 = arith.addi %add3A_362, %add3A_363 : i32
    %dma_start3A_365 = arith.constant 0 : i32
    %dma_start3A_366 = tpu.memref_slice %arg6[%squeeze3A_360, %dma_start3A_365] : memref<888x128xf32, #tpu.memory_space<vmem>> -> memref<720x128xf32, #tpu.memory_space<vmem>>
    %dma_start3A_367 = arith.constant 0 : i32
    %dma_start3A_368 = arith.constant 0 : i32
    %dma_start3A_369 = tpu.memref_slice %arg4[%add3A_364, %dma_start3A_367, %dma_start3A_368] : memref<1024x720x128xf32, #tpu.memory_space<hbm>> -> memref<1x720x128xf32, #tpu.memory_space<hbm>>
    %dma_start3A_370 = tpu.memref_squeeze %dma_start3A_369 : memref<1x720x128xf32, #tpu.memory_space<hbm>> -> memref<720x128xf32, #tpu.memory_space<hbm>>
    %dma_start3A_371 = arith.constant 0 : i32
    %dma_start3A_372 = arith.constant 0 : i32
    %dma_start3A_373 = tpu.memref_slice %arg4[%add3A_364, %dma_start3A_371, %dma_start3A_372] : memref<1024x720x128xf32, #tpu.memory_space<hbm>> -> memref<1x720x128xf32, #tpu.memory_space<hbm>>
    %dma_start3A_374 = tpu.memref_squeeze %dma_start3A_373 : memref<1x720x128xf32, #tpu.memory_space<hbm>> -> memref<720x128xf32, #tpu.memory_space<hbm>>
    %dma_start3A_375 = arith.constant 0 : i32
    %dma_start3A_376 = tpu.memref_slice %arg6[%squeeze3A_360, %dma_start3A_375] : memref<888x128xf32, #tpu.memory_space<vmem>> -> memref<720x128xf32, #tpu.memory_space<vmem>>
    tpu.enqueue_dma source(%dma_start3A_376 : memref<720x128xf32, #tpu.memory_space<vmem>>) target(%dma_start3A_374 : memref<720x128xf32, #tpu.memory_space<hbm>>) target_semaphore(%arg7 : memref<!tpu.dma_semaphore, #tpu.memory_space<semaphore_mem>>)
    %get3A_377 = arith.constant 16 : index
    %get3A_378 = tpu.vector_load %arg5[%get3A_377] {strides = array<i32>} : memref<32xi32, #tpu.memory_space<vmem>>, vector<16xi32>,
    %get3A_379 = vector.shape_cast %get3A_378 : vector<16xi32> to vector<16xi32>
    %slice3A_380 = vector.extract_strided_slice %get3A_379 {offsets = [0], sizes = [1], strides = [1]} : vector<16xi32> to vector<1xi32>
    %squeeze3A_381 = vector.extract %slice3A_380[0] : i32 from vector<1xi32>
    %add3A_382 = arith.constant 16 : i32
    %add3A_383 = arith.addi %mul3A_2, %add3A_382 : i32
    %add3A_384 = arith.constant 0 : i32
    %add3A_385 = arith.addi %add3A_383, %add3A_384 : i32
    %dma_start3A_386 = arith.constant 0 : i32
    %dma_start3A_387 = tpu.memref_slice %arg6[%squeeze3A_381, %dma_start3A_386] : memref<888x128xf32, #tpu.memory_space<vmem>> -> memref<720x128xf32, #tpu.memory_space<vmem>>
    %dma_start3A_388 = arith.constant 0 : i32
    %dma_start3A_389 = arith.constant 0 : i32
    %dma_start3A_390 = tpu.memref_slice %arg4[%add3A_385, %dma_start3A_388, %dma_start3A_389] : memref<1024x720x128xf32, #tpu.memory_space<hbm>> -> memref<1x720x128xf32, #tpu.memory_space<hbm>>
    %dma_start3A_391 = tpu.memref_squeeze %dma_start3A_390 : memref<1x720x128xf32, #tpu.memory_space<hbm>> -> memref<720x128xf32, #tpu.memory_space<hbm>>
    %dma_start3A_392 = arith.constant 0 : i32
    %dma_start3A_393 = arith.constant 0 : i32
    %dma_start3A_394 = tpu.memref_slice %arg4[%add3A_385, %dma_start3A_392, %dma_start3A_393] : memref<1024x720x128xf32, #tpu.memory_space<hbm>> -> memref<1x720x128xf32, #tpu.memory_space<hbm>>
    %dma_start3A_395 = tpu.memref_squeeze %dma_start3A_394 : memref<1x720x128xf32, #tpu.memory_space<hbm>> -> memref<720x128xf32, #tpu.memory_space<hbm>>
    %dma_start3A_396 = arith.constant 0 : i32
    %dma_start3A_397 = tpu.memref_slice %arg6[%squeeze3A_381, %dma_start3A_396] : memref<888x128xf32, #tpu.memory_space<vmem>> -> memref<720x128xf32, #tpu.memory_space<vmem>>
    tpu.enqueue_dma source(%dma_start3A_397 : memref<720x128xf32, #tpu.memory_space<vmem>>) target(%dma_start3A_395 : memref<720x128xf32, #tpu.memory_space<hbm>>) target_semaphore(%arg7 : memref<!tpu.dma_semaphore, #tpu.memory_space<semaphore_mem>>)
    %slice3A_398 = vector.extract_strided_slice %get3A_379 {offsets = [1], sizes = [1], strides = [1]} : vector<16xi32> to vector<1xi32>
    %squeeze3A_399 = vector.extract %slice3A_398[0] : i32 from vector<1xi32>
    %add3A_400 = arith.constant 16 : i32
    %add3A_401 = arith.addi %mul3A_2, %add3A_400 : i32
    %add3A_402 = arith.constant 1 : i32
    %add3A_403 = arith.addi %add3A_401, %add3A_402 : i32
    %dma_start3A_404 = arith.constant 0 : i32
    %dma_start3A_405 = tpu.memref_slice %arg6[%squeeze3A_399, %dma_start3A_404] : memref<888x128xf32, #tpu.memory_space<vmem>> -> memref<720x128xf32, #tpu.memory_space<vmem>>
    %dma_start3A_406 = arith.constant 0 : i32
    %dma_start3A_407 = arith.constant 0 : i32
    %dma_start3A_408 = tpu.memref_slice %arg4[%add3A_403, %dma_start3A_406, %dma_start3A_407] : memref<1024x720x128xf32, #tpu.memory_space<hbm>> -> memref<1x720x128xf32, #tpu.memory_space<hbm>>
    %dma_start3A_409 = tpu.memref_squeeze %dma_start3A_408 : memref<1x720x128xf32, #tpu.memory_space<hbm>> -> memref<720x128xf32, #tpu.memory_space<hbm>>
    %dma_start3A_410 = arith.constant 0 : i32
    %dma_start3A_411 = arith.constant 0 : i32
    %dma_start3A_412 = tpu.memref_slice %arg4[%add3A_403, %dma_start3A_410, %dma_start3A_411] : memref<1024x720x128xf32, #tpu.memory_space<hbm>> -> memref<1x720x128xf32, #tpu.memory_space<hbm>>
    %dma_start3A_413 = tpu.memref_squeeze %dma_start3A_412 : memref<1x720x128xf32, #tpu.memory_space<hbm>> -> memref<720x128xf32, #tpu.memory_space<hbm>>
    %dma_start3A_414 = arith.constant 0 : i32
    %dma_start3A_415 = tpu.memref_slice %arg6[%squeeze3A_399, %dma_start3A_414] : memref<888x128xf32, #tpu.memory_space<vmem>> -> memref<720x128xf32, #tpu.memory_space<vmem>>
    tpu.enqueue_dma source(%dma_start3A_415 : memref<720x128xf32, #tpu.memory_space<vmem>>) target(%dma_start3A_413 : memref<720x128xf32, #tpu.memory_space<hbm>>) target_semaphore(%arg7 : memref<!tpu.dma_semaphore, #tpu.memory_space<semaphore_mem>>)
    %slice3A_416 = vector.extract_strided_slice %get3A_379 {offsets = [2], sizes = [1], strides = [1]} : vector<16xi32> to vector<1xi32>
    %squeeze3A_417 = vector.extract %slice3A_416[0] : i32 from vector<1xi32>
    %add3A_418 = arith.constant 16 : i32
    %add3A_419 = arith.addi %mul3A_2, %add3A_418 : i32
    %add3A_420 = arith.constant 2 : i32
    %add3A_421 = arith.addi %add3A_419, %add3A_420 : i32
    %dma_start3A_422 = arith.constant 0 : i32
    %dma_start3A_423 = tpu.memref_slice %arg6[%squeeze3A_417, %dma_start3A_422] : memref<888x128xf32, #tpu.memory_space<vmem>> -> memref<720x128xf32, #tpu.memory_space<vmem>>
    %dma_start3A_424 = arith.constant 0 : i32
    %dma_start3A_425 = arith.constant 0 : i32
    %dma_start3A_426 = tpu.memref_slice %arg4[%add3A_421, %dma_start3A_424, %dma_start3A_425] : memref<1024x720x128xf32, #tpu.memory_space<hbm>> -> memref<1x720x128xf32, #tpu.memory_space<hbm>>
    %dma_start3A_427 = tpu.memref_squeeze %dma_start3A_426 : memref<1x720x128xf32, #tpu.memory_space<hbm>> -> memref<720x128xf32, #tpu.memory_space<hbm>>
    %dma_start3A_428 = arith.constant 0 : i32
    %dma_start3A_429 = arith.constant 0 : i32
    %dma_start3A_430 = tpu.memref_slice %arg4[%add3A_421, %dma_start3A_428, %dma_start3A_429] : memref<1024x720x128xf32, #tpu.memory_space<hbm>> -> memref<1x720x128xf32, #tpu.memory_space<hbm>>
    %dma_start3A_431 = tpu.memref_squeeze %dma_start3A_430 : memref<1x720x128xf32, #tpu.memory_space<hbm>> -> memref<720x128xf32, #tpu.memory_space<hbm>>
    %dma_start3A_432 = arith.constant 0 : i32
    %dma_start3A_433 = tpu.memref_slice %arg6[%squeeze3A_417, %dma_start3A_432] : memref<888x128xf32, #tpu.memory_space<vmem>> -> memref<720x128xf32, #tpu.memory_space<vmem>>
    tpu.enqueue_dma source(%dma_start3A_433 : memref<720x128xf32, #tpu.memory_space<vmem>>) target(%dma_start3A_431 : memref<720x128xf32, #tpu.memory_space<hbm>>) target_semaphore(%arg7 : memref<!tpu.dma_semaphore, #tpu.memory_space<semaphore_mem>>)
    %slice3A_434 = vector.extract_strided_slice %get3A_379 {offsets = [3], sizes = [1], strides = [1]} : vector<16xi32> to vector<1xi32>
    %squeeze3A_435 = vector.extract %slice3A_434[0] : i32 from vector<1xi32>
    %add3A_436 = arith.constant 16 : i32
    %add3A_437 = arith.addi %mul3A_2, %add3A_436 : i32
    %add3A_438 = arith.constant 3 : i32
    %add3A_439 = arith.addi %add3A_437, %add3A_438 : i32
    %dma_start3A_440 = arith.constant 0 : i32
    %dma_start3A_441 = tpu.memref_slice %arg6[%squeeze3A_435, %dma_start3A_440] : memref<888x128xf32, #tpu.memory_space<vmem>> -> memref<720x128xf32, #tpu.memory_space<vmem>>
    %dma_start3A_442 = arith.constant 0 : i32
    %dma_start3A_443 = arith.constant 0 : i32
    %dma_start3A_444 = tpu.memref_slice %arg4[%add3A_439, %dma_start3A_442, %dma_start3A_443] : memref<1024x720x128xf32, #tpu.memory_space<hbm>> -> memref<1x720x128xf32, #tpu.memory_space<hbm>>
    %dma_start3A_445 = tpu.memref_squeeze %dma_start3A_444 : memref<1x720x128xf32, #tpu.memory_space<hbm>> -> memref<720x128xf32, #tpu.memory_space<hbm>>
    %dma_start3A_446 = arith.constant 0 : i32
    %dma_start3A_447 = arith.constant 0 : i32
    %dma_start3A_448 = tpu.memref_slice %arg4[%add3A_439, %dma_start3A_446, %dma_start3A_447] : memref<1024x720x128xf32, #tpu.memory_space<hbm>> -> memref<1x720x128xf32, #tpu.memory_space<hbm>>
    %dma_start3A_449 = tpu.memref_squeeze %dma_start3A_448 : memref<1x720x128xf32, #tpu.memory_space<hbm>> -> memref<720x128xf32, #tpu.memory_space<hbm>>
    %dma_start3A_450 = arith.constant 0 : i32
    %dma_start3A_451 = tpu.memref_slice %arg6[%squeeze3A_435, %dma_start3A_450] : memref<888x128xf32, #tpu.memory_space<vmem>> -> memref<720x128xf32, #tpu.memory_space<vmem>>
    tpu.enqueue_dma source(%dma_start3A_451 : memref<720x128xf32, #tpu.memory_space<vmem>>) target(%dma_start3A_449 : memref<720x128xf32, #tpu.memory_space<hbm>>) target_semaphore(%arg7 : memref<!tpu.dma_semaphore, #tpu.memory_space<semaphore_mem>>)
    %slice3A_452 = vector.extract_strided_slice %get3A_379 {offsets = [4], sizes = [1], strides = [1]} : vector<16xi32> to vector<1xi32>
    %squeeze3A_453 = vector.extract %slice3A_452[0] : i32 from vector<1xi32>
    %add3A_454 = arith.constant 16 : i32
    %add3A_455 = arith.addi %mul3A_2, %add3A_454 : i32
    %add3A_456 = arith.constant 4 : i32
    %add3A_457 = arith.addi %add3A_455, %add3A_456 : i32
    %dma_start3A_458 = arith.constant 0 : i32
    %dma_start3A_459 = tpu.memref_slice %arg6[%squeeze3A_453, %dma_start3A_458] : memref<888x128xf32, #tpu.memory_space<vmem>> -> memref<720x128xf32, #tpu.memory_space<vmem>>
    %dma_start3A_460 = arith.constant 0 : i32
    %dma_start3A_461 = arith.constant 0 : i32
    %dma_start3A_462 = tpu.memref_slice %arg4[%add3A_457, %dma_start3A_460, %dma_start3A_461] : memref<1024x720x128xf32, #tpu.memory_space<hbm>> -> memref<1x720x128xf32, #tpu.memory_space<hbm>>
    %dma_start3A_463 = tpu.memref_squeeze %dma_start3A_462 : memref<1x720x128xf32, #tpu.memory_space<hbm>> -> memref<720x128xf32, #tpu.memory_space<hbm>>
    %dma_start3A_464 = arith.constant 0 : i32
    %dma_start3A_465 = arith.constant 0 : i32
    %dma_start3A_466 = tpu.memref_slice %arg4[%add3A_457, %dma_start3A_464, %dma_start3A_465] : memref<1024x720x128xf32, #tpu.memory_space<hbm>> -> memref<1x720x128xf32, #tpu.memory_space<hbm>>
    %dma_start3A_467 = tpu.memref_squeeze %dma_start3A_466 : memref<1x720x128xf32, #tpu.memory_space<hbm>> -> memref<720x128xf32, #tpu.memory_space<hbm>>
    %dma_start3A_468 = arith.constant 0 : i32
    %dma_start3A_469 = tpu.memref_slice %arg6[%squeeze3A_453, %dma_start3A_468] : memref<888x128xf32, #tpu.memory_space<vmem>> -> memref<720x128xf32, #tpu.memory_space<vmem>>
    tpu.enqueue_dma source(%dma_start3A_469 : memref<720x128xf32, #tpu.memory_space<vmem>>) target(%dma_start3A_467 : memref<720x128xf32, #tpu.memory_space<hbm>>) target_semaphore(%arg7 : memref<!tpu.dma_semaphore, #tpu.memory_space<semaphore_mem>>)
    %slice3A_470 = vector.extract_strided_slice %get3A_379 {offsets = [5], sizes = [1], strides = [1]} : vector<16xi32> to vector<1xi32>
    %squeeze3A_471 = vector.extract %slice3A_470[0] : i32 from vector<1xi32>
    %add3A_472 = arith.constant 16 : i32
    %add3A_473 = arith.addi %mul3A_2, %add3A_472 : i32
    %add3A_474 = arith.constant 5 : i32
    %add3A_475 = arith.addi %add3A_473, %add3A_474 : i32
    %dma_start3A_476 = arith.constant 0 : i32
    %dma_start3A_477 = tpu.memref_slice %arg6[%squeeze3A_471, %dma_start3A_476] : memref<888x128xf32, #tpu.memory_space<vmem>> -> memref<720x128xf32, #tpu.memory_space<vmem>>
    %dma_start3A_478 = arith.constant 0 : i32
    %dma_start3A_479 = arith.constant 0 : i32
    %dma_start3A_480 = tpu.memref_slice %arg4[%add3A_475, %dma_start3A_478, %dma_start3A_479] : memref<1024x720x128xf32, #tpu.memory_space<hbm>> -> memref<1x720x128xf32, #tpu.memory_space<hbm>>
    %dma_start3A_481 = tpu.memref_squeeze %dma_start3A_480 : memref<1x720x128xf32, #tpu.memory_space<hbm>> -> memref<720x128xf32, #tpu.memory_space<hbm>>
    %dma_start3A_482 = arith.constant 0 : i32
    %dma_start3A_483 = arith.constant 0 : i32
    %dma_start3A_484 = tpu.memref_slice %arg4[%add3A_475, %dma_start3A_482, %dma_start3A_483] : memref<1024x720x128xf32, #tpu.memory_space<hbm>> -> memref<1x720x128xf32, #tpu.memory_space<hbm>>
    %dma_start3A_485 = tpu.memref_squeeze %dma_start3A_484 : memref<1x720x128xf32, #tpu.memory_space<hbm>> -> memref<720x128xf32, #tpu.memory_space<hbm>>
    %dma_start3A_486 = arith.constant 0 : i32
    %dma_start3A_487 = tpu.memref_slice %arg6[%squeeze3A_471, %dma_start3A_486] : memref<888x128xf32, #tpu.memory_space<vmem>> -> memref<720x128xf32, #tpu.memory_space<vmem>>
    tpu.enqueue_dma source(%dma_start3A_487 : memref<720x128xf32, #tpu.memory_space<vmem>>) target(%dma_start3A_485 : memref<720x128xf32, #tpu.memory_space<hbm>>) target_semaphore(%arg7 : memref<!tpu.dma_semaphore, #tpu.memory_space<semaphore_mem>>)
    %slice3A_488 = vector.extract_strided_slice %get3A_379 {offsets = [6], sizes = [1], strides = [1]} : vector<16xi32> to vector<1xi32>
    %squeeze3A_489 = vector.extract %slice3A_488[0] : i32 from vector<1xi32>
    %add3A_490 = arith.constant 16 : i32
    %add3A_491 = arith.addi %mul3A_2, %add3A_490 : i32
    %add3A_492 = arith.constant 6 : i32
    %add3A_493 = arith.addi %add3A_491, %add3A_492 : i32
    %dma_start3A_494 = arith.constant 0 : i32
    %dma_start3A_495 = tpu.memref_slice %arg6[%squeeze3A_489, %dma_start3A_494] : memref<888x128xf32, #tpu.memory_space<vmem>> -> memref<720x128xf32, #tpu.memory_space<vmem>>
    %dma_start3A_496 = arith.constant 0 : i32
    %dma_start3A_497 = arith.constant 0 : i32
    %dma_start3A_498 = tpu.memref_slice %arg4[%add3A_493, %dma_start3A_496, %dma_start3A_497] : memref<1024x720x128xf32, #tpu.memory_space<hbm>> -> memref<1x720x128xf32, #tpu.memory_space<hbm>>
    %dma_start3A_499 = tpu.memref_squeeze %dma_start3A_498 : memref<1x720x128xf32, #tpu.memory_space<hbm>> -> memref<720x128xf32, #tpu.memory_space<hbm>>
    %dma_start3A_500 = arith.constant 0 : i32
    %dma_start3A_501 = arith.constant 0 : i32
    %dma_start3A_502 = tpu.memref_slice %arg4[%add3A_493, %dma_start3A_500, %dma_start3A_501] : memref<1024x720x128xf32, #tpu.memory_space<hbm>> -> memref<1x720x128xf32, #tpu.memory_space<hbm>>
    %dma_start3A_503 = tpu.memref_squeeze %dma_start3A_502 : memref<1x720x128xf32, #tpu.memory_space<hbm>> -> memref<720x128xf32, #tpu.memory_space<hbm>>
    %dma_start3A_504 = arith.constant 0 : i32
    %dma_start3A_505 = tpu.memref_slice %arg6[%squeeze3A_489, %dma_start3A_504] : memref<888x128xf32, #tpu.memory_space<vmem>> -> memref<720x128xf32, #tpu.memory_space<vmem>>
    tpu.enqueue_dma source(%dma_start3A_505 : memref<720x128xf32, #tpu.memory_space<vmem>>) target(%dma_start3A_503 : memref<720x128xf32, #tpu.memory_space<hbm>>) target_semaphore(%arg7 : memref<!tpu.dma_semaphore, #tpu.memory_space<semaphore_mem>>)
    %slice3A_506 = vector.extract_strided_slice %get3A_379 {offsets = [7], sizes = [1], strides = [1]} : vector<16xi32> to vector<1xi32>
    %squeeze3A_507 = vector.extract %slice3A_506[0] : i32 from vector<1xi32>
    %add3A_508 = arith.constant 16 : i32
    %add3A_509 = arith.addi %mul3A_2, %add3A_508 : i32
    %add3A_510 = arith.constant 7 : i32
    %add3A_511 = arith.addi %add3A_509, %add3A_510 : i32
    %dma_start3A_512 = arith.constant 0 : i32
    %dma_start3A_513 = tpu.memref_slice %arg6[%squeeze3A_507, %dma_start3A_512] : memref<888x128xf32, #tpu.memory_space<vmem>> -> memref<720x128xf32, #tpu.memory_space<vmem>>
    %dma_start3A_514 = arith.constant 0 : i32
    %dma_start3A_515 = arith.constant 0 : i32
    %dma_start3A_516 = tpu.memref_slice %arg4[%add3A_511, %dma_start3A_514, %dma_start3A_515] : memref<1024x720x128xf32, #tpu.memory_space<hbm>> -> memref<1x720x128xf32, #tpu.memory_space<hbm>>
    %dma_start3A_517 = tpu.memref_squeeze %dma_start3A_516 : memref<1x720x128xf32, #tpu.memory_space<hbm>> -> memref<720x128xf32, #tpu.memory_space<hbm>>
    %dma_start3A_518 = arith.constant 0 : i32
    %dma_start3A_519 = arith.constant 0 : i32
    %dma_start3A_520 = tpu.memref_slice %arg4[%add3A_511, %dma_start3A_518, %dma_start3A_519] : memref<1024x720x128xf32, #tpu.memory_space<hbm>> -> memref<1x720x128xf32, #tpu.memory_space<hbm>>
    %dma_start3A_521 = tpu.memref_squeeze %dma_start3A_520 : memref<1x720x128xf32, #tpu.memory_space<hbm>> -> memref<720x128xf32, #tpu.memory_space<hbm>>
    %dma_start3A_522 = arith.constant 0 : i32
    %dma_start3A_523 = tpu.memref_slice %arg6[%squeeze3A_507, %dma_start3A_522] : memref<888x128xf32, #tpu.memory_space<vmem>> -> memref<720x128xf32, #tpu.memory_space<vmem>>
    tpu.enqueue_dma source(%dma_start3A_523 : memref<720x128xf32, #tpu.memory_space<vmem>>) target(%dma_start3A_521 : memref<720x128xf32, #tpu.memory_space<hbm>>) target_semaphore(%arg7 : memref<!tpu.dma_semaphore, #tpu.memory_space<semaphore_mem>>)
    %slice3A_524 = vector.extract_strided_slice %get3A_379 {offsets = [8], sizes = [1], strides = [1]} : vector<16xi32> to vector<1xi32>
    %squeeze3A_525 = vector.extract %slice3A_524[0] : i32 from vector<1xi32>
    %add3A_526 = arith.constant 16 : i32
    %add3A_527 = arith.addi %mul3A_2, %add3A_526 : i32
    %add3A_528 = arith.constant 8 : i32
    %add3A_529 = arith.addi %add3A_527, %add3A_528 : i32
    %dma_start3A_530 = arith.constant 0 : i32
    %dma_start3A_531 = tpu.memref_slice %arg6[%squeeze3A_525, %dma_start3A_530] : memref<888x128xf32, #tpu.memory_space<vmem>> -> memref<720x128xf32, #tpu.memory_space<vmem>>
    %dma_start3A_532 = arith.constant 0 : i32
    %dma_start3A_533 = arith.constant 0 : i32
    %dma_start3A_534 = tpu.memref_slice %arg4[%add3A_529, %dma_start3A_532, %dma_start3A_533] : memref<1024x720x128xf32, #tpu.memory_space<hbm>> -> memref<1x720x128xf32, #tpu.memory_space<hbm>>
    %dma_start3A_535 = tpu.memref_squeeze %dma_start3A_534 : memref<1x720x128xf32, #tpu.memory_space<hbm>> -> memref<720x128xf32, #tpu.memory_space<hbm>>
    %dma_start3A_536 = arith.constant 0 : i32
    %dma_start3A_537 = arith.constant 0 : i32
    %dma_start3A_538 = tpu.memref_slice %arg4[%add3A_529, %dma_start3A_536, %dma_start3A_537] : memref<1024x720x128xf32, #tpu.memory_space<hbm>> -> memref<1x720x128xf32, #tpu.memory_space<hbm>>
    %dma_start3A_539 = tpu.memref_squeeze %dma_start3A_538 : memref<1x720x128xf32, #tpu.memory_space<hbm>> -> memref<720x128xf32, #tpu.memory_space<hbm>>
    %dma_start3A_540 = arith.constant 0 : i32
    %dma_start3A_541 = tpu.memref_slice %arg6[%squeeze3A_525, %dma_start3A_540] : memref<888x128xf32, #tpu.memory_space<vmem>> -> memref<720x128xf32, #tpu.memory_space<vmem>>
    tpu.enqueue_dma source(%dma_start3A_541 : memref<720x128xf32, #tpu.memory_space<vmem>>) target(%dma_start3A_539 : memref<720x128xf32, #tpu.memory_space<hbm>>) target_semaphore(%arg7 : memref<!tpu.dma_semaphore, #tpu.memory_space<semaphore_mem>>)
    %slice3A_542 = vector.extract_strided_slice %get3A_379 {offsets = [9], sizes = [1], strides = [1]} : vector<16xi32> to vector<1xi32>
    %squeeze3A_543 = vector.extract %slice3A_542[0] : i32 from vector<1xi32>
    %add3A_544 = arith.constant 16 : i32
    %add3A_545 = arith.addi %mul3A_2, %add3A_544 : i32
    %add3A_546 = arith.constant 9 : i32
    %add3A_547 = arith.addi %add3A_545, %add3A_546 : i32
    %dma_start3A_548 = arith.constant 0 : i32
    %dma_start3A_549 = tpu.memref_slice %arg6[%squeeze3A_543, %dma_start3A_548] : memref<888x128xf32, #tpu.memory_space<vmem>> -> memref<720x128xf32, #tpu.memory_space<vmem>>
    %dma_start3A_550 = arith.constant 0 : i32
    %dma_start3A_551 = arith.constant 0 : i32
    %dma_start3A_552 = tpu.memref_slice %arg4[%add3A_547, %dma_start3A_550, %dma_start3A_551] : memref<1024x720x128xf32, #tpu.memory_space<hbm>> -> memref<1x720x128xf32, #tpu.memory_space<hbm>>
    %dma_start3A_553 = tpu.memref_squeeze %dma_start3A_552 : memref<1x720x128xf32, #tpu.memory_space<hbm>> -> memref<720x128xf32, #tpu.memory_space<hbm>>
    %dma_start3A_554 = arith.constant 0 : i32
    %dma_start3A_555 = arith.constant 0 : i32
    %dma_start3A_556 = tpu.memref_slice %arg4[%add3A_547, %dma_start3A_554, %dma_start3A_555] : memref<1024x720x128xf32, #tpu.memory_space<hbm>> -> memref<1x720x128xf32, #tpu.memory_space<hbm>>
    %dma_start3A_557 = tpu.memref_squeeze %dma_start3A_556 : memref<1x720x128xf32, #tpu.memory_space<hbm>> -> memref<720x128xf32, #tpu.memory_space<hbm>>
    %dma_start3A_558 = arith.constant 0 : i32
    %dma_start3A_559 = tpu.memref_slice %arg6[%squeeze3A_543, %dma_start3A_558] : memref<888x128xf32, #tpu.memory_space<vmem>> -> memref<720x128xf32, #tpu.memory_space<vmem>>
    tpu.enqueue_dma source(%dma_start3A_559 : memref<720x128xf32, #tpu.memory_space<vmem>>) target(%dma_start3A_557 : memref<720x128xf32, #tpu.memory_space<hbm>>) target_semaphore(%arg7 : memref<!tpu.dma_semaphore, #tpu.memory_space<semaphore_mem>>)
    %slice3A_560 = vector.extract_strided_slice %get3A_379 {offsets = [10], sizes = [1], strides = [1]} : vector<16xi32> to vector<1xi32>
    %squeeze3A_561 = vector.extract %slice3A_560[0] : i32 from vector<1xi32>
    %add3A_562 = arith.constant 16 : i32
    %add3A_563 = arith.addi %mul3A_2, %add3A_562 : i32
    %add3A_564 = arith.constant 10 : i32
    %add3A_565 = arith.addi %add3A_563, %add3A_564 : i32
    %dma_start3A_566 = arith.constant 0 : i32
    %dma_start3A_567 = tpu.memref_slice %arg6[%squeeze3A_561, %dma_start3A_566] : memref<888x128xf32, #tpu.memory_space<vmem>> -> memref<720x128xf32, #tpu.memory_space<vmem>>
    %dma_start3A_568 = arith.constant 0 : i32
    %dma_start3A_569 = arith.constant 0 : i32
    %dma_start3A_570 = tpu.memref_slice %arg4[%add3A_565, %dma_start3A_568, %dma_start3A_569] : memref<1024x720x128xf32, #tpu.memory_space<hbm>> -> memref<1x720x128xf32, #tpu.memory_space<hbm>>
    %dma_start3A_571 = tpu.memref_squeeze %dma_start3A_570 : memref<1x720x128xf32, #tpu.memory_space<hbm>> -> memref<720x128xf32, #tpu.memory_space<hbm>>
    %dma_start3A_572 = arith.constant 0 : i32
    %dma_start3A_573 = arith.constant 0 : i32
    %dma_start3A_574 = tpu.memref_slice %arg4[%add3A_565, %dma_start3A_572, %dma_start3A_573] : memref<1024x720x128xf32, #tpu.memory_space<hbm>> -> memref<1x720x128xf32, #tpu.memory_space<hbm>>
    %dma_start3A_575 = tpu.memref_squeeze %dma_start3A_574 : memref<1x720x128xf32, #tpu.memory_space<hbm>> -> memref<720x128xf32, #tpu.memory_space<hbm>>
    %dma_start3A_576 = arith.constant 0 : i32
    %dma_start3A_577 = tpu.memref_slice %arg6[%squeeze3A_561, %dma_start3A_576] : memref<888x128xf32, #tpu.memory_space<vmem>> -> memref<720x128xf32, #tpu.memory_space<vmem>>
    tpu.enqueue_dma source(%dma_start3A_577 : memref<720x128xf32, #tpu.memory_space<vmem>>) target(%dma_start3A_575 : memref<720x128xf32, #tpu.memory_space<hbm>>) target_semaphore(%arg7 : memref<!tpu.dma_semaphore, #tpu.memory_space<semaphore_mem>>)
    %slice3A_578 = vector.extract_strided_slice %get3A_379 {offsets = [11], sizes = [1], strides = [1]} : vector<16xi32> to vector<1xi32>
    %squeeze3A_579 = vector.extract %slice3A_578[0] : i32 from vector<1xi32>
    %add3A_580 = arith.constant 16 : i32
    %add3A_581 = arith.addi %mul3A_2, %add3A_580 : i32
    %add3A_582 = arith.constant 11 : i32
    %add3A_583 = arith.addi %add3A_581, %add3A_582 : i32
    %dma_start3A_584 = arith.constant 0 : i32
    %dma_start3A_585 = tpu.memref_slice %arg6[%squeeze3A_579, %dma_start3A_584] : memref<888x128xf32, #tpu.memory_space<vmem>> -> memref<720x128xf32, #tpu.memory_space<vmem>>
    %dma_start3A_586 = arith.constant 0 : i32
    %dma_start3A_587 = arith.constant 0 : i32
    %dma_start3A_588 = tpu.memref_slice %arg4[%add3A_583, %dma_start3A_586, %dma_start3A_587] : memref<1024x720x128xf32, #tpu.memory_space<hbm>> -> memref<1x720x128xf32, #tpu.memory_space<hbm>>
    %dma_start3A_589 = tpu.memref_squeeze %dma_start3A_588 : memref<1x720x128xf32, #tpu.memory_space<hbm>> -> memref<720x128xf32, #tpu.memory_space<hbm>>
    %dma_start3A_590 = arith.constant 0 : i32
    %dma_start3A_591 = arith.constant 0 : i32
    %dma_start3A_592 = tpu.memref_slice %arg4[%add3A_583, %dma_start3A_590, %dma_start3A_591] : memref<1024x720x128xf32, #tpu.memory_space<hbm>> -> memref<1x720x128xf32, #tpu.memory_space<hbm>>
    %dma_start3A_593 = tpu.memref_squeeze %dma_start3A_592 : memref<1x720x128xf32, #tpu.memory_space<hbm>> -> memref<720x128xf32, #tpu.memory_space<hbm>>
    %dma_start3A_594 = arith.constant 0 : i32
    %dma_start3A_595 = tpu.memref_slice %arg6[%squeeze3A_579, %dma_start3A_594] : memref<888x128xf32, #tpu.memory_space<vmem>> -> memref<720x128xf32, #tpu.memory_space<vmem>>
    tpu.enqueue_dma source(%dma_start3A_595 : memref<720x128xf32, #tpu.memory_space<vmem>>) target(%dma_start3A_593 : memref<720x128xf32, #tpu.memory_space<hbm>>) target_semaphore(%arg7 : memref<!tpu.dma_semaphore, #tpu.memory_space<semaphore_mem>>)
    %slice3A_596 = vector.extract_strided_slice %get3A_379 {offsets = [12], sizes = [1], strides = [1]} : vector<16xi32> to vector<1xi32>
    %squeeze3A_597 = vector.extract %slice3A_596[0] : i32 from vector<1xi32>
    %add3A_598 = arith.constant 16 : i32
    %add3A_599 = arith.addi %mul3A_2, %add3A_598 : i32
    %add3A_600 = arith.constant 12 : i32
    %add3A_601 = arith.addi %add3A_599, %add3A_600 : i32
    %dma_start3A_602 = arith.constant 0 : i32
    %dma_start3A_603 = tpu.memref_slice %arg6[%squeeze3A_597, %dma_start3A_602] : memref<888x128xf32, #tpu.memory_space<vmem>> -> memref<720x128xf32, #tpu.memory_space<vmem>>
    %dma_start3A_604 = arith.constant 0 : i32
    %dma_start3A_605 = arith.constant 0 : i32
    %dma_start3A_606 = tpu.memref_slice %arg4[%add3A_601, %dma_start3A_604, %dma_start3A_605] : memref<1024x720x128xf32, #tpu.memory_space<hbm>> -> memref<1x720x128xf32, #tpu.memory_space<hbm>>
    %dma_start3A_607 = tpu.memref_squeeze %dma_start3A_606 : memref<1x720x128xf32, #tpu.memory_space<hbm>> -> memref<720x128xf32, #tpu.memory_space<hbm>>
    %dma_start3A_608 = arith.constant 0 : i32
    %dma_start3A_609 = arith.constant 0 : i32
    %dma_start3A_610 = tpu.memref_slice %arg4[%add3A_601, %dma_start3A_608, %dma_start3A_609] : memref<1024x720x128xf32, #tpu.memory_space<hbm>> -> memref<1x720x128xf32, #tpu.memory_space<hbm>>
    %dma_start3A_611 = tpu.memref_squeeze %dma_start3A_610 : memref<1x720x128xf32, #tpu.memory_space<hbm>> -> memref<720x128xf32, #tpu.memory_space<hbm>>
    %dma_start3A_612 = arith.constant 0 : i32
    %dma_start3A_613 = tpu.memref_slice %arg6[%squeeze3A_597, %dma_start3A_612] : memref<888x128xf32, #tpu.memory_space<vmem>> -> memref<720x128xf32, #tpu.memory_space<vmem>>
    tpu.enqueue_dma source(%dma_start3A_613 : memref<720x128xf32, #tpu.memory_space<vmem>>) target(%dma_start3A_611 : memref<720x128xf32, #tpu.memory_space<hbm>>) target_semaphore(%arg7 : memref<!tpu.dma_semaphore, #tpu.memory_space<semaphore_mem>>)
    %slice3A_614 = vector.extract_strided_slice %get3A_379 {offsets = [13], sizes = [1], strides = [1]} : vector<16xi32> to vector<1xi32>
    %squeeze3A_615 = vector.extract %slice3A_614[0] : i32 from vector<1xi32>
    %add3A_616 = arith.constant 16 : i32
    %add3A_617 = arith.addi %mul3A_2, %add3A_616 : i32
    %add3A_618 = arith.constant 13 : i32
    %add3A_619 = arith.addi %add3A_617, %add3A_618 : i32
    %dma_start3A_620 = arith.constant 0 : i32
    %dma_start3A_621 = tpu.memref_slice %arg6[%squeeze3A_615, %dma_start3A_620] : memref<888x128xf32, #tpu.memory_space<vmem>> -> memref<720x128xf32, #tpu.memory_space<vmem>>
    %dma_start3A_622 = arith.constant 0 : i32
    %dma_start3A_623 = arith.constant 0 : i32
    %dma_start3A_624 = tpu.memref_slice %arg4[%add3A_619, %dma_start3A_622, %dma_start3A_623] : memref<1024x720x128xf32, #tpu.memory_space<hbm>> -> memref<1x720x128xf32, #tpu.memory_space<hbm>>
    %dma_start3A_625 = tpu.memref_squeeze %dma_start3A_624 : memref<1x720x128xf32, #tpu.memory_space<hbm>> -> memref<720x128xf32, #tpu.memory_space<hbm>>
    %dma_start3A_626 = arith.constant 0 : i32
    %dma_start3A_627 = arith.constant 0 : i32
    %dma_start3A_628 = tpu.memref_slice %arg4[%add3A_619, %dma_start3A_626, %dma_start3A_627] : memref<1024x720x128xf32, #tpu.memory_space<hbm>> -> memref<1x720x128xf32, #tpu.memory_space<hbm>>
    %dma_start3A_629 = tpu.memref_squeeze %dma_start3A_628 : memref<1x720x128xf32, #tpu.memory_space<hbm>> -> memref<720x128xf32, #tpu.memory_space<hbm>>
    %dma_start3A_630 = arith.constant 0 : i32
    %dma_start3A_631 = tpu.memref_slice %arg6[%squeeze3A_615, %dma_start3A_630] : memref<888x128xf32, #tpu.memory_space<vmem>> -> memref<720x128xf32, #tpu.memory_space<vmem>>
    tpu.enqueue_dma source(%dma_start3A_631 : memref<720x128xf32, #tpu.memory_space<vmem>>) target(%dma_start3A_629 : memref<720x128xf32, #tpu.memory_space<hbm>>) target_semaphore(%arg7 : memref<!tpu.dma_semaphore, #tpu.memory_space<semaphore_mem>>)
    %slice3A_632 = vector.extract_strided_slice %get3A_379 {offsets = [14], sizes = [1], strides = [1]} : vector<16xi32> to vector<1xi32>
    %squeeze3A_633 = vector.extract %slice3A_632[0] : i32 from vector<1xi32>
    %add3A_634 = arith.constant 16 : i32
    %add3A_635 = arith.addi %mul3A_2, %add3A_634 : i32
    %add3A_636 = arith.constant 14 : i32
    %add3A_637 = arith.addi %add3A_635, %add3A_636 : i32
    %dma_start3A_638 = arith.constant 0 : i32
    %dma_start3A_639 = tpu.memref_slice %arg6[%squeeze3A_633, %dma_start3A_638] : memref<888x128xf32, #tpu.memory_space<vmem>> -> memref<720x128xf32, #tpu.memory_space<vmem>>
    %dma_start3A_640 = arith.constant 0 : i32
    %dma_start3A_641 = arith.constant 0 : i32
    %dma_start3A_642 = tpu.memref_slice %arg4[%add3A_637, %dma_start3A_640, %dma_start3A_641] : memref<1024x720x128xf32, #tpu.memory_space<hbm>> -> memref<1x720x128xf32, #tpu.memory_space<hbm>>
    %dma_start3A_643 = tpu.memref_squeeze %dma_start3A_642 : memref<1x720x128xf32, #tpu.memory_space<hbm>> -> memref<720x128xf32, #tpu.memory_space<hbm>>
    %dma_start3A_644 = arith.constant 0 : i32
    %dma_start3A_645 = arith.constant 0 : i32
    %dma_start3A_646 = tpu.memref_slice %arg4[%add3A_637, %dma_start3A_644, %dma_start3A_645] : memref<1024x720x128xf32, #tpu.memory_space<hbm>> -> memref<1x720x128xf32, #tpu.memory_space<hbm>>
    %dma_start3A_647 = tpu.memref_squeeze %dma_start3A_646 : memref<1x720x128xf32, #tpu.memory_space<hbm>> -> memref<720x128xf32, #tpu.memory_space<hbm>>
    %dma_start3A_648 = arith.constant 0 : i32
    %dma_start3A_649 = tpu.memref_slice %arg6[%squeeze3A_633, %dma_start3A_648] : memref<888x128xf32, #tpu.memory_space<vmem>> -> memref<720x128xf32, #tpu.memory_space<vmem>>
    tpu.enqueue_dma source(%dma_start3A_649 : memref<720x128xf32, #tpu.memory_space<vmem>>) target(%dma_start3A_647 : memref<720x128xf32, #tpu.memory_space<hbm>>) target_semaphore(%arg7 : memref<!tpu.dma_semaphore, #tpu.memory_space<semaphore_mem>>)
    %slice3A_650 = vector.extract_strided_slice %get3A_379 {offsets = [15], sizes = [1], strides = [1]} : vector<16xi32> to vector<1xi32>
    %squeeze3A_651 = vector.extract %slice3A_650[0] : i32 from vector<1xi32>
    %add3A_652 = arith.constant 16 : i32
    %add3A_653 = arith.addi %mul3A_2, %add3A_652 : i32
    %add3A_654 = arith.constant 15 : i32
    %add3A_655 = arith.addi %add3A_653, %add3A_654 : i32
    %dma_start3A_656 = arith.constant 0 : i32
    %dma_start3A_657 = tpu.memref_slice %arg6[%squeeze3A_651, %dma_start3A_656] : memref<888x128xf32, #tpu.memory_space<vmem>> -> memref<720x128xf32, #tpu.memory_space<vmem>>
    %dma_start3A_658 = arith.constant 0 : i32
    %dma_start3A_659 = arith.constant 0 : i32
    %dma_start3A_660 = tpu.memref_slice %arg4[%add3A_655, %dma_start3A_658, %dma_start3A_659] : memref<1024x720x128xf32, #tpu.memory_space<hbm>> -> memref<1x720x128xf32, #tpu.memory_space<hbm>>
    %dma_start3A_661 = tpu.memref_squeeze %dma_start3A_660 : memref<1x720x128xf32, #tpu.memory_space<hbm>> -> memref<720x128xf32, #tpu.memory_space<hbm>>
    %dma_start3A_662 = arith.constant 0 : i32
    %dma_start3A_663 = arith.constant 0 : i32
    %dma_start3A_664 = tpu.memref_slice %arg4[%add3A_655, %dma_start3A_662, %dma_start3A_663] : memref<1024x720x128xf32, #tpu.memory_space<hbm>> -> memref<1x720x128xf32, #tpu.memory_space<hbm>>
    %dma_start3A_665 = tpu.memref_squeeze %dma_start3A_664 : memref<1x720x128xf32, #tpu.memory_space<hbm>> -> memref<720x128xf32, #tpu.memory_space<hbm>>
    %dma_start3A_666 = arith.constant 0 : i32
    %dma_start3A_667 = tpu.memref_slice %arg6[%squeeze3A_651, %dma_start3A_666] : memref<888x128xf32, #tpu.memory_space<vmem>> -> memref<720x128xf32, #tpu.memory_space<vmem>>
    tpu.enqueue_dma source(%dma_start3A_667 : memref<720x128xf32, #tpu.memory_space<vmem>>) target(%dma_start3A_665 : memref<720x128xf32, #tpu.memory_space<hbm>>) target_semaphore(%arg7 : memref<!tpu.dma_semaphore, #tpu.memory_space<semaphore_mem>>)
    %dma_wait3A_668 = arith.constant 0 : i32
    %dma_wait3A_669 = tpu.memref_slice %arg6[%squeeze3A, %dma_wait3A_668] : memref<888x128xf32, #tpu.memory_space<vmem>> -> memref<720x128xf32, #tpu.memory_space<vmem>>
    %dma_wait3A_670 = arith.constant 0 : i32
    %dma_wait3A_671 = arith.constant 0 : i32
    %dma_wait3A_672 = tpu.memref_slice %arg4[%add3A_94, %dma_wait3A_670, %dma_wait3A_671] : memref<1024x720x128xf32, #tpu.memory_space<hbm>> -> memref<1x720x128xf32, #tpu.memory_space<hbm>>
    %dma_wait3A_673 = tpu.memref_squeeze %dma_wait3A_672 : memref<1x720x128xf32, #tpu.memory_space<hbm>> -> memref<720x128xf32, #tpu.memory_space<hbm>>
    %dma_wait3A_674 = arith.constant 0 : i32
    %dma_wait3A_675 = arith.constant 0 : i32
    %dma_wait3A_676 = tpu.memref_slice %arg4[%add3A_94, %dma_wait3A_674, %dma_wait3A_675] : memref<1024x720x128xf32, #tpu.memory_space<hbm>> -> memref<1x720x128xf32, #tpu.memory_space<hbm>>
    %dma_wait3A_677 = tpu.memref_squeeze %dma_wait3A_676 : memref<1x720x128xf32, #tpu.memory_space<hbm>> -> memref<720x128xf32, #tpu.memory_space<hbm>>
    %dma_wait3A_678 = arith.constant 0 : i32
    %dma_wait3A_679 = tpu.memref_slice %arg6[%squeeze3A, %dma_wait3A_678] : memref<888x128xf32, #tpu.memory_space<vmem>> -> memref<720x128xf32, #tpu.memory_space<vmem>>
    tpu.wait_dma2 semaphore(%arg7 : memref<!tpu.dma_semaphore, #tpu.memory_space<semaphore_mem>>) src(%dma_wait3A_679 : memref<720x128xf32, #tpu.memory_space<vmem>>) dst(%dma_wait3A_677 : memref<720x128xf32, #tpu.memory_space<hbm>>)
    %dma_wait3A_680 = arith.constant 0 : i32
    %dma_wait3A_681 = tpu.memref_slice %arg6[%squeeze3A_108, %dma_wait3A_680] : memref<888x128xf32, #tpu.memory_space<vmem>> -> memref<720x128xf32, #tpu.memory_space<vmem>>
    %dma_wait3A_682 = arith.constant 0 : i32
    %dma_wait3A_683 = arith.constant 0 : i32
    %dma_wait3A_684 = tpu.memref_slice %arg4[%add3A_112, %dma_wait3A_682, %dma_wait3A_683] : memref<1024x720x128xf32, #tpu.memory_space<hbm>> -> memref<1x720x128xf32, #tpu.memory_space<hbm>>
    %dma_wait3A_685 = tpu.memref_squeeze %dma_wait3A_684 : memref<1x720x128xf32, #tpu.memory_space<hbm>> -> memref<720x128xf32, #tpu.memory_space<hbm>>
    %dma_wait3A_686 = arith.constant 0 : i32
    %dma_wait3A_687 = arith.constant 0 : i32
    %dma_wait3A_688 = tpu.memref_slice %arg4[%add3A_112, %dma_wait3A_686, %dma_wait3A_687] : memref<1024x720x128xf32, #tpu.memory_space<hbm>> -> memref<1x720x128xf32, #tpu.memory_space<hbm>>
    %dma_wait3A_689 = tpu.memref_squeeze %dma_wait3A_688 : memref<1x720x128xf32, #tpu.memory_space<hbm>> -> memref<720x128xf32, #tpu.memory_space<hbm>>
    %dma_wait3A_690 = arith.constant 0 : i32
    %dma_wait3A_691 = tpu.memref_slice %arg6[%squeeze3A_108, %dma_wait3A_690] : memref<888x128xf32, #tpu.memory_space<vmem>> -> memref<720x128xf32, #tpu.memory_space<vmem>>
    tpu.wait_dma2 semaphore(%arg7 : memref<!tpu.dma_semaphore, #tpu.memory_space<semaphore_mem>>) src(%dma_wait3A_691 : memref<720x128xf32, #tpu.memory_space<vmem>>) dst(%dma_wait3A_689 : memref<720x128xf32, #tpu.memory_space<hbm>>)
    %dma_wait3A_692 = arith.constant 0 : i32
    %dma_wait3A_693 = tpu.memref_slice %arg6[%squeeze3A_126, %dma_wait3A_692] : memref<888x128xf32, #tpu.memory_space<vmem>> -> memref<720x128xf32, #tpu.memory_space<vmem>>
    %dma_wait3A_694 = arith.constant 0 : i32
    %dma_wait3A_695 = arith.constant 0 : i32
    %dma_wait3A_696 = tpu.memref_slice %arg4[%add3A_130, %dma_wait3A_694, %dma_wait3A_695] : memref<1024x720x128xf32, #tpu.memory_space<hbm>> -> memref<1x720x128xf32, #tpu.memory_space<hbm>>
    %dma_wait3A_697 = tpu.memref_squeeze %dma_wait3A_696 : memref<1x720x128xf32, #tpu.memory_space<hbm>> -> memref<720x128xf32, #tpu.memory_space<hbm>>
    %dma_wait3A_698 = arith.constant 0 : i32
    %dma_wait3A_699 = arith.constant 0 : i32
    %dma_wait3A_700 = tpu.memref_slice %arg4[%add3A_130, %dma_wait3A_698, %dma_wait3A_699] : memref<1024x720x128xf32, #tpu.memory_space<hbm>> -> memref<1x720x128xf32, #tpu.memory_space<hbm>>
    %dma_wait3A_701 = tpu.memref_squeeze %dma_wait3A_700 : memref<1x720x128xf32, #tpu.memory_space<hbm>> -> memref<720x128xf32, #tpu.memory_space<hbm>>
    %dma_wait3A_702 = arith.constant 0 : i32
    %dma_wait3A_703 = tpu.memref_slice %arg6[%squeeze3A_126, %dma_wait3A_702] : memref<888x128xf32, #tpu.memory_space<vmem>> -> memref<720x128xf32, #tpu.memory_space<vmem>>
    tpu.wait_dma2 semaphore(%arg7 : memref<!tpu.dma_semaphore, #tpu.memory_space<semaphore_mem>>) src(%dma_wait3A_703 : memref<720x128xf32, #tpu.memory_space<vmem>>) dst(%dma_wait3A_701 : memref<720x128xf32, #tpu.memory_space<hbm>>)
    %dma_wait3A_704 = arith.constant 0 : i32
    %dma_wait3A_705 = tpu.memref_slice %arg6[%squeeze3A_144, %dma_wait3A_704] : memref<888x128xf32, #tpu.memory_space<vmem>> -> memref<720x128xf32, #tpu.memory_space<vmem>>
    %dma_wait3A_706 = arith.constant 0 : i32
    %dma_wait3A_707 = arith.constant 0 : i32
    %dma_wait3A_708 = tpu.memref_slice %arg4[%add3A_148, %dma_wait3A_706, %dma_wait3A_707] : memref<1024x720x128xf32, #tpu.memory_space<hbm>> -> memref<1x720x128xf32, #tpu.memory_space<hbm>>
    %dma_wait3A_709 = tpu.memref_squeeze %dma_wait3A_708 : memref<1x720x128xf32, #tpu.memory_space<hbm>> -> memref<720x128xf32, #tpu.memory_space<hbm>>
    %dma_wait3A_710 = arith.constant 0 : i32
    %dma_wait3A_711 = arith.constant 0 : i32
    %dma_wait3A_712 = tpu.memref_slice %arg4[%add3A_148, %dma_wait3A_710, %dma_wait3A_711] : memref<1024x720x128xf32, #tpu.memory_space<hbm>> -> memref<1x720x128xf32, #tpu.memory_space<hbm>>
    %dma_wait3A_713 = tpu.memref_squeeze %dma_wait3A_712 : memref<1x720x128xf32, #tpu.memory_space<hbm>> -> memref<720x128xf32, #tpu.memory_space<hbm>>
    %dma_wait3A_714 = arith.constant 0 : i32
    %dma_wait3A_715 = tpu.memref_slice %arg6[%squeeze3A_144, %dma_wait3A_714] : memref<888x128xf32, #tpu.memory_space<vmem>> -> memref<720x128xf32, #tpu.memory_space<vmem>>
    tpu.wait_dma2 semaphore(%arg7 : memref<!tpu.dma_semaphore, #tpu.memory_space<semaphore_mem>>) src(%dma_wait3A_715 : memref<720x128xf32, #tpu.memory_space<vmem>>) dst(%dma_wait3A_713 : memref<720x128xf32, #tpu.memory_space<hbm>>)
    %dma_wait3A_716 = arith.constant 0 : i32
    %dma_wait3A_717 = tpu.memref_slice %arg6[%squeeze3A_162, %dma_wait3A_716] : memref<888x128xf32, #tpu.memory_space<vmem>> -> memref<720x128xf32, #tpu.memory_space<vmem>>
    %dma_wait3A_718 = arith.constant 0 : i32
    %dma_wait3A_719 = arith.constant 0 : i32
    %dma_wait3A_720 = tpu.memref_slice %arg4[%add3A_166, %dma_wait3A_718, %dma_wait3A_719] : memref<1024x720x128xf32, #tpu.memory_space<hbm>> -> memref<1x720x128xf32, #tpu.memory_space<hbm>>
    %dma_wait3A_721 = tpu.memref_squeeze %dma_wait3A_720 : memref<1x720x128xf32, #tpu.memory_space<hbm>> -> memref<720x128xf32, #tpu.memory_space<hbm>>
    %dma_wait3A_722 = arith.constant 0 : i32
    %dma_wait3A_723 = arith.constant 0 : i32
    %dma_wait3A_724 = tpu.memref_slice %arg4[%add3A_166, %dma_wait3A_722, %dma_wait3A_723] : memref<1024x720x128xf32, #tpu.memory_space<hbm>> -> memref<1x720x128xf32, #tpu.memory_space<hbm>>
    %dma_wait3A_725 = tpu.memref_squeeze %dma_wait3A_724 : memref<1x720x128xf32, #tpu.memory_space<hbm>> -> memref<720x128xf32, #tpu.memory_space<hbm>>
    %dma_wait3A_726 = arith.constant 0 : i32
    %dma_wait3A_727 = tpu.memref_slice %arg6[%squeeze3A_162, %dma_wait3A_726] : memref<888x128xf32, #tpu.memory_space<vmem>> -> memref<720x128xf32, #tpu.memory_space<vmem>>
    tpu.wait_dma2 semaphore(%arg7 : memref<!tpu.dma_semaphore, #tpu.memory_space<semaphore_mem>>) src(%dma_wait3A_727 : memref<720x128xf32, #tpu.memory_space<vmem>>) dst(%dma_wait3A_725 : memref<720x128xf32, #tpu.memory_space<hbm>>)
    %dma_wait3A_728 = arith.constant 0 : i32
    %dma_wait3A_729 = tpu.memref_slice %arg6[%squeeze3A_180, %dma_wait3A_728] : memref<888x128xf32, #tpu.memory_space<vmem>> -> memref<720x128xf32, #tpu.memory_space<vmem>>
    %dma_wait3A_730 = arith.constant 0 : i32
    %dma_wait3A_731 = arith.constant 0 : i32
    %dma_wait3A_732 = tpu.memref_slice %arg4[%add3A_184, %dma_wait3A_730, %dma_wait3A_731] : memref<1024x720x128xf32, #tpu.memory_space<hbm>> -> memref<1x720x128xf32, #tpu.memory_space<hbm>>
    %dma_wait3A_733 = tpu.memref_squeeze %dma_wait3A_732 : memref<1x720x128xf32, #tpu.memory_space<hbm>> -> memref<720x128xf32, #tpu.memory_space<hbm>>
    %dma_wait3A_734 = arith.constant 0 : i32
    %dma_wait3A_735 = arith.constant 0 : i32
    %dma_wait3A_736 = tpu.memref_slice %arg4[%add3A_184, %dma_wait3A_734, %dma_wait3A_735] : memref<1024x720x128xf32, #tpu.memory_space<hbm>> -> memref<1x720x128xf32, #tpu.memory_space<hbm>>
    %dma_wait3A_737 = tpu.memref_squeeze %dma_wait3A_736 : memref<1x720x128xf32, #tpu.memory_space<hbm>> -> memref<720x128xf32, #tpu.memory_space<hbm>>
    %dma_wait3A_738 = arith.constant 0 : i32
    %dma_wait3A_739 = tpu.memref_slice %arg6[%squeeze3A_180, %dma_wait3A_738] : memref<888x128xf32, #tpu.memory_space<vmem>> -> memref<720x128xf32, #tpu.memory_space<vmem>>
    tpu.wait_dma2 semaphore(%arg7 : memref<!tpu.dma_semaphore, #tpu.memory_space<semaphore_mem>>) src(%dma_wait3A_739 : memref<720x128xf32, #tpu.memory_space<vmem>>) dst(%dma_wait3A_737 : memref<720x128xf32, #tpu.memory_space<hbm>>)
    %dma_wait3A_740 = arith.constant 0 : i32
    %dma_wait3A_741 = tpu.memref_slice %arg6[%squeeze3A_198, %dma_wait3A_740] : memref<888x128xf32, #tpu.memory_space<vmem>> -> memref<720x128xf32, #tpu.memory_space<vmem>>
    %dma_wait3A_742 = arith.constant 0 : i32
    %dma_wait3A_743 = arith.constant 0 : i32
    %dma_wait3A_744 = tpu.memref_slice %arg4[%add3A_202, %dma_wait3A_742, %dma_wait3A_743] : memref<1024x720x128xf32, #tpu.memory_space<hbm>> -> memref<1x720x128xf32, #tpu.memory_space<hbm>>
    %dma_wait3A_745 = tpu.memref_squeeze %dma_wait3A_744 : memref<1x720x128xf32, #tpu.memory_space<hbm>> -> memref<720x128xf32, #tpu.memory_space<hbm>>
    %dma_wait3A_746 = arith.constant 0 : i32
    %dma_wait3A_747 = arith.constant 0 : i32
    %dma_wait3A_748 = tpu.memref_slice %arg4[%add3A_202, %dma_wait3A_746, %dma_wait3A_747] : memref<1024x720x128xf32, #tpu.memory_space<hbm>> -> memref<1x720x128xf32, #tpu.memory_space<hbm>>
    %dma_wait3A_749 = tpu.memref_squeeze %dma_wait3A_748 : memref<1x720x128xf32, #tpu.memory_space<hbm>> -> memref<720x128xf32, #tpu.memory_space<hbm>>
    %dma_wait3A_750 = arith.constant 0 : i32
    %dma_wait3A_751 = tpu.memref_slice %arg6[%squeeze3A_198, %dma_wait3A_750] : memref<888x128xf32, #tpu.memory_space<vmem>> -> memref<720x128xf32, #tpu.memory_space<vmem>>
    tpu.wait_dma2 semaphore(%arg7 : memref<!tpu.dma_semaphore, #tpu.memory_space<semaphore_mem>>) src(%dma_wait3A_751 : memref<720x128xf32, #tpu.memory_space<vmem>>) dst(%dma_wait3A_749 : memref<720x128xf32, #tpu.memory_space<hbm>>)
    %dma_wait3A_752 = arith.constant 0 : i32
    %dma_wait3A_753 = tpu.memref_slice %arg6[%squeeze3A_216, %dma_wait3A_752] : memref<888x128xf32, #tpu.memory_space<vmem>> -> memref<720x128xf32, #tpu.memory_space<vmem>>
    %dma_wait3A_754 = arith.constant 0 : i32
    %dma_wait3A_755 = arith.constant 0 : i32
    %dma_wait3A_756 = tpu.memref_slice %arg4[%add3A_220, %dma_wait3A_754, %dma_wait3A_755] : memref<1024x720x128xf32, #tpu.memory_space<hbm>> -> memref<1x720x128xf32, #tpu.memory_space<hbm>>
    %dma_wait3A_757 = tpu.memref_squeeze %dma_wait3A_756 : memref<1x720x128xf32, #tpu.memory_space<hbm>> -> memref<720x128xf32, #tpu.memory_space<hbm>>
    %dma_wait3A_758 = arith.constant 0 : i32
    %dma_wait3A_759 = arith.constant 0 : i32
    %dma_wait3A_760 = tpu.memref_slice %arg4[%add3A_220, %dma_wait3A_758, %dma_wait3A_759] : memref<1024x720x128xf32, #tpu.memory_space<hbm>> -> memref<1x720x128xf32, #tpu.memory_space<hbm>>
    %dma_wait3A_761 = tpu.memref_squeeze %dma_wait3A_760 : memref<1x720x128xf32, #tpu.memory_space<hbm>> -> memref<720x128xf32, #tpu.memory_space<hbm>>
    %dma_wait3A_762 = arith.constant 0 : i32
    %dma_wait3A_763 = tpu.memref_slice %arg6[%squeeze3A_216, %dma_wait3A_762] : memref<888x128xf32, #tpu.memory_space<vmem>> -> memref<720x128xf32, #tpu.memory_space<vmem>>
    tpu.wait_dma2 semaphore(%arg7 : memref<!tpu.dma_semaphore, #tpu.memory_space<semaphore_mem>>) src(%dma_wait3A_763 : memref<720x128xf32, #tpu.memory_space<vmem>>) dst(%dma_wait3A_761 : memref<720x128xf32, #tpu.memory_space<hbm>>)
    %dma_wait3A_764 = arith.constant 0 : i32
    %dma_wait3A_765 = tpu.memref_slice %arg6[%squeeze3A_234, %dma_wait3A_764] : memref<888x128xf32, #tpu.memory_space<vmem>> -> memref<720x128xf32, #tpu.memory_space<vmem>>
    %dma_wait3A_766 = arith.constant 0 : i32
    %dma_wait3A_767 = arith.constant 0 : i32
    %dma_wait3A_768 = tpu.memref_slice %arg4[%add3A_238, %dma_wait3A_766, %dma_wait3A_767] : memref<1024x720x128xf32, #tpu.memory_space<hbm>> -> memref<1x720x128xf32, #tpu.memory_space<hbm>>
    %dma_wait3A_769 = tpu.memref_squeeze %dma_wait3A_768 : memref<1x720x128xf32, #tpu.memory_space<hbm>> -> memref<720x128xf32, #tpu.memory_space<hbm>>
    %dma_wait3A_770 = arith.constant 0 : i32
    %dma_wait3A_771 = arith.constant 0 : i32
    %dma_wait3A_772 = tpu.memref_slice %arg4[%add3A_238, %dma_wait3A_770, %dma_wait3A_771] : memref<1024x720x128xf32, #tpu.memory_space<hbm>> -> memref<1x720x128xf32, #tpu.memory_space<hbm>>
    %dma_wait3A_773 = tpu.memref_squeeze %dma_wait3A_772 : memref<1x720x128xf32, #tpu.memory_space<hbm>> -> memref<720x128xf32, #tpu.memory_space<hbm>>
    %dma_wait3A_774 = arith.constant 0 : i32
    %dma_wait3A_775 = tpu.memref_slice %arg6[%squeeze3A_234, %dma_wait3A_774] : memref<888x128xf32, #tpu.memory_space<vmem>> -> memref<720x128xf32, #tpu.memory_space<vmem>>
    tpu.wait_dma2 semaphore(%arg7 : memref<!tpu.dma_semaphore, #tpu.memory_space<semaphore_mem>>) src(%dma_wait3A_775 : memref<720x128xf32, #tpu.memory_space<vmem>>) dst(%dma_wait3A_773 : memref<720x128xf32, #tpu.memory_space<hbm>>)
    %dma_wait3A_776 = arith.constant 0 : i32
    %dma_wait3A_777 = tpu.memref_slice %arg6[%squeeze3A_252, %dma_wait3A_776] : memref<888x128xf32, #tpu.memory_space<vmem>> -> memref<720x128xf32, #tpu.memory_space<vmem>>
    %dma_wait3A_778 = arith.constant 0 : i32
    %dma_wait3A_779 = arith.constant 0 : i32
    %dma_wait3A_780 = tpu.memref_slice %arg4[%add3A_256, %dma_wait3A_778, %dma_wait3A_779] : memref<1024x720x128xf32, #tpu.memory_space<hbm>> -> memref<1x720x128xf32, #tpu.memory_space<hbm>>
    %dma_wait3A_781 = tpu.memref_squeeze %dma_wait3A_780 : memref<1x720x128xf32, #tpu.memory_space<hbm>> -> memref<720x128xf32, #tpu.memory_space<hbm>>
    %dma_wait3A_782 = arith.constant 0 : i32
    %dma_wait3A_783 = arith.constant 0 : i32
    %dma_wait3A_784 = tpu.memref_slice %arg4[%add3A_256, %dma_wait3A_782, %dma_wait3A_783] : memref<1024x720x128xf32, #tpu.memory_space<hbm>> -> memref<1x720x128xf32, #tpu.memory_space<hbm>>
    %dma_wait3A_785 = tpu.memref_squeeze %dma_wait3A_784 : memref<1x720x128xf32, #tpu.memory_space<hbm>> -> memref<720x128xf32, #tpu.memory_space<hbm>>
    %dma_wait3A_786 = arith.constant 0 : i32
    %dma_wait3A_787 = tpu.memref_slice %arg6[%squeeze3A_252, %dma_wait3A_786] : memref<888x128xf32, #tpu.memory_space<vmem>> -> memref<720x128xf32, #tpu.memory_space<vmem>>
    tpu.wait_dma2 semaphore(%arg7 : memref<!tpu.dma_semaphore, #tpu.memory_space<semaphore_mem>>) src(%dma_wait3A_787 : memref<720x128xf32, #tpu.memory_space<vmem>>) dst(%dma_wait3A_785 : memref<720x128xf32, #tpu.memory_space<hbm>>)
    %dma_wait3A_788 = arith.constant 0 : i32
    %dma_wait3A_789 = tpu.memref_slice %arg6[%squeeze3A_270, %dma_wait3A_788] : memref<888x128xf32, #tpu.memory_space<vmem>> -> memref<720x128xf32, #tpu.memory_space<vmem>>
    %dma_wait3A_790 = arith.constant 0 : i32
    %dma_wait3A_791 = arith.constant 0 : i32
    %dma_wait3A_792 = tpu.memref_slice %arg4[%add3A_274, %dma_wait3A_790, %dma_wait3A_791] : memref<1024x720x128xf32, #tpu.memory_space<hbm>> -> memref<1x720x128xf32, #tpu.memory_space<hbm>>
    %dma_wait3A_793 = tpu.memref_squeeze %dma_wait3A_792 : memref<1x720x128xf32, #tpu.memory_space<hbm>> -> memref<720x128xf32, #tpu.memory_space<hbm>>
    %dma_wait3A_794 = arith.constant 0 : i32
    %dma_wait3A_795 = arith.constant 0 : i32
    %dma_wait3A_796 = tpu.memref_slice %arg4[%add3A_274, %dma_wait3A_794, %dma_wait3A_795] : memref<1024x720x128xf32, #tpu.memory_space<hbm>> -> memref<1x720x128xf32, #tpu.memory_space<hbm>>
    %dma_wait3A_797 = tpu.memref_squeeze %dma_wait3A_796 : memref<1x720x128xf32, #tpu.memory_space<hbm>> -> memref<720x128xf32, #tpu.memory_space<hbm>>
    %dma_wait3A_798 = arith.constant 0 : i32
    %dma_wait3A_799 = tpu.memref_slice %arg6[%squeeze3A_270, %dma_wait3A_798] : memref<888x128xf32, #tpu.memory_space<vmem>> -> memref<720x128xf32, #tpu.memory_space<vmem>>
    tpu.wait_dma2 semaphore(%arg7 : memref<!tpu.dma_semaphore, #tpu.memory_space<semaphore_mem>>) src(%dma_wait3A_799 : memref<720x128xf32, #tpu.memory_space<vmem>>) dst(%dma_wait3A_797 : memref<720x128xf32, #tpu.memory_space<hbm>>)
    %dma_wait3A_800 = arith.constant 0 : i32
    %dma_wait3A_801 = tpu.memref_slice %arg6[%squeeze3A_288, %dma_wait3A_800] : memref<888x128xf32, #tpu.memory_space<vmem>> -> memref<720x128xf32, #tpu.memory_space<vmem>>
    %dma_wait3A_802 = arith.constant 0 : i32
    %dma_wait3A_803 = arith.constant 0 : i32
    %dma_wait3A_804 = tpu.memref_slice %arg4[%add3A_292, %dma_wait3A_802, %dma_wait3A_803] : memref<1024x720x128xf32, #tpu.memory_space<hbm>> -> memref<1x720x128xf32, #tpu.memory_space<hbm>>
    %dma_wait3A_805 = tpu.memref_squeeze %dma_wait3A_804 : memref<1x720x128xf32, #tpu.memory_space<hbm>> -> memref<720x128xf32, #tpu.memory_space<hbm>>
    %dma_wait3A_806 = arith.constant 0 : i32
    %dma_wait3A_807 = arith.constant 0 : i32
    %dma_wait3A_808 = tpu.memref_slice %arg4[%add3A_292, %dma_wait3A_806, %dma_wait3A_807] : memref<1024x720x128xf32, #tpu.memory_space<hbm>> -> memref<1x720x128xf32, #tpu.memory_space<hbm>>
    %dma_wait3A_809 = tpu.memref_squeeze %dma_wait3A_808 : memref<1x720x128xf32, #tpu.memory_space<hbm>> -> memref<720x128xf32, #tpu.memory_space<hbm>>
    %dma_wait3A_810 = arith.constant 0 : i32
    %dma_wait3A_811 = tpu.memref_slice %arg6[%squeeze3A_288, %dma_wait3A_810] : memref<888x128xf32, #tpu.memory_space<vmem>> -> memref<720x128xf32, #tpu.memory_space<vmem>>
    tpu.wait_dma2 semaphore(%arg7 : memref<!tpu.dma_semaphore, #tpu.memory_space<semaphore_mem>>) src(%dma_wait3A_811 : memref<720x128xf32, #tpu.memory_space<vmem>>) dst(%dma_wait3A_809 : memref<720x128xf32, #tpu.memory_space<hbm>>)
    %dma_wait3A_812 = arith.constant 0 : i32
    %dma_wait3A_813 = tpu.memref_slice %arg6[%squeeze3A_306, %dma_wait3A_812] : memref<888x128xf32, #tpu.memory_space<vmem>> -> memref<720x128xf32, #tpu.memory_space<vmem>>
    %dma_wait3A_814 = arith.constant 0 : i32
    %dma_wait3A_815 = arith.constant 0 : i32
    %dma_wait3A_816 = tpu.memref_slice %arg4[%add3A_310, %dma_wait3A_814, %dma_wait3A_815] : memref<1024x720x128xf32, #tpu.memory_space<hbm>> -> memref<1x720x128xf32, #tpu.memory_space<hbm>>
    %dma_wait3A_817 = tpu.memref_squeeze %dma_wait3A_816 : memref<1x720x128xf32, #tpu.memory_space<hbm>> -> memref<720x128xf32, #tpu.memory_space<hbm>>
    %dma_wait3A_818 = arith.constant 0 : i32
    %dma_wait3A_819 = arith.constant 0 : i32
    %dma_wait3A_820 = tpu.memref_slice %arg4[%add3A_310, %dma_wait3A_818, %dma_wait3A_819] : memref<1024x720x128xf32, #tpu.memory_space<hbm>> -> memref<1x720x128xf32, #tpu.memory_space<hbm>>
    %dma_wait3A_821 = tpu.memref_squeeze %dma_wait3A_820 : memref<1x720x128xf32, #tpu.memory_space<hbm>> -> memref<720x128xf32, #tpu.memory_space<hbm>>
    %dma_wait3A_822 = arith.constant 0 : i32
    %dma_wait3A_823 = tpu.memref_slice %arg6[%squeeze3A_306, %dma_wait3A_822] : memref<888x128xf32, #tpu.memory_space<vmem>> -> memref<720x128xf32, #tpu.memory_space<vmem>>
    tpu.wait_dma2 semaphore(%arg7 : memref<!tpu.dma_semaphore, #tpu.memory_space<semaphore_mem>>) src(%dma_wait3A_823 : memref<720x128xf32, #tpu.memory_space<vmem>>) dst(%dma_wait3A_821 : memref<720x128xf32, #tpu.memory_space<hbm>>)
    %dma_wait3A_824 = arith.constant 0 : i32
    %dma_wait3A_825 = tpu.memref_slice %arg6[%squeeze3A_324, %dma_wait3A_824] : memref<888x128xf32, #tpu.memory_space<vmem>> -> memref<720x128xf32, #tpu.memory_space<vmem>>
    %dma_wait3A_826 = arith.constant 0 : i32
    %dma_wait3A_827 = arith.constant 0 : i32
    %dma_wait3A_828 = tpu.memref_slice %arg4[%add3A_328, %dma_wait3A_826, %dma_wait3A_827] : memref<1024x720x128xf32, #tpu.memory_space<hbm>> -> memref<1x720x128xf32, #tpu.memory_space<hbm>>
    %dma_wait3A_829 = tpu.memref_squeeze %dma_wait3A_828 : memref<1x720x128xf32, #tpu.memory_space<hbm>> -> memref<720x128xf32, #tpu.memory_space<hbm>>
    %dma_wait3A_830 = arith.constant 0 : i32
    %dma_wait3A_831 = arith.constant 0 : i32
    %dma_wait3A_832 = tpu.memref_slice %arg4[%add3A_328, %dma_wait3A_830, %dma_wait3A_831] : memref<1024x720x128xf32, #tpu.memory_space<hbm>> -> memref<1x720x128xf32, #tpu.memory_space<hbm>>
    %dma_wait3A_833 = tpu.memref_squeeze %dma_wait3A_832 : memref<1x720x128xf32, #tpu.memory_space<hbm>> -> memref<720x128xf32, #tpu.memory_space<hbm>>
    %dma_wait3A_834 = arith.constant 0 : i32
    %dma_wait3A_835 = tpu.memref_slice %arg6[%squeeze3A_324, %dma_wait3A_834] : memref<888x128xf32, #tpu.memory_space<vmem>> -> memref<720x128xf32, #tpu.memory_space<vmem>>
    tpu.wait_dma2 semaphore(%arg7 : memref<!tpu.dma_semaphore, #tpu.memory_space<semaphore_mem>>) src(%dma_wait3A_835 : memref<720x128xf32, #tpu.memory_space<vmem>>) dst(%dma_wait3A_833 : memref<720x128xf32, #tpu.memory_space<hbm>>)
    %dma_wait3A_836 = arith.constant 0 : i32
    %dma_wait3A_837 = tpu.memref_slice %arg6[%squeeze3A_342, %dma_wait3A_836] : memref<888x128xf32, #tpu.memory_space<vmem>> -> memref<720x128xf32, #tpu.memory_space<vmem>>
    %dma_wait3A_838 = arith.constant 0 : i32
    %dma_wait3A_839 = arith.constant 0 : i32
    %dma_wait3A_840 = tpu.memref_slice %arg4[%add3A_346, %dma_wait3A_838, %dma_wait3A_839] : memref<1024x720x128xf32, #tpu.memory_space<hbm>> -> memref<1x720x128xf32, #tpu.memory_space<hbm>>
    %dma_wait3A_841 = tpu.memref_squeeze %dma_wait3A_840 : memref<1x720x128xf32, #tpu.memory_space<hbm>> -> memref<720x128xf32, #tpu.memory_space<hbm>>
    %dma_wait3A_842 = arith.constant 0 : i32
    %dma_wait3A_843 = arith.constant 0 : i32
    %dma_wait3A_844 = tpu.memref_slice %arg4[%add3A_346, %dma_wait3A_842, %dma_wait3A_843] : memref<1024x720x128xf32, #tpu.memory_space<hbm>> -> memref<1x720x128xf32, #tpu.memory_space<hbm>>
    %dma_wait3A_845 = tpu.memref_squeeze %dma_wait3A_844 : memref<1x720x128xf32, #tpu.memory_space<hbm>> -> memref<720x128xf32, #tpu.memory_space<hbm>>
    %dma_wait3A_846 = arith.constant 0 : i32
    %dma_wait3A_847 = tpu.memref_slice %arg6[%squeeze3A_342, %dma_wait3A_846] : memref<888x128xf32, #tpu.memory_space<vmem>> -> memref<720x128xf32, #tpu.memory_space<vmem>>
    tpu.wait_dma2 semaphore(%arg7 : memref<!tpu.dma_semaphore, #tpu.memory_space<semaphore_mem>>) src(%dma_wait3A_847 : memref<720x128xf32, #tpu.memory_space<vmem>>) dst(%dma_wait3A_845 : memref<720x128xf32, #tpu.memory_space<hbm>>)
    %dma_wait3A_848 = arith.constant 0 : i32
    %dma_wait3A_849 = tpu.memref_slice %arg6[%squeeze3A_360, %dma_wait3A_848] : memref<888x128xf32, #tpu.memory_space<vmem>> -> memref<720x128xf32, #tpu.memory_space<vmem>>
    %dma_wait3A_850 = arith.constant 0 : i32
    %dma_wait3A_851 = arith.constant 0 : i32
    %dma_wait3A_852 = tpu.memref_slice %arg4[%add3A_364, %dma_wait3A_850, %dma_wait3A_851] : memref<1024x720x128xf32, #tpu.memory_space<hbm>> -> memref<1x720x128xf32, #tpu.memory_space<hbm>>
    %dma_wait3A_853 = tpu.memref_squeeze %dma_wait3A_852 : memref<1x720x128xf32, #tpu.memory_space<hbm>> -> memref<720x128xf32, #tpu.memory_space<hbm>>
    %dma_wait3A_854 = arith.constant 0 : i32
    %dma_wait3A_855 = arith.constant 0 : i32
    %dma_wait3A_856 = tpu.memref_slice %arg4[%add3A_364, %dma_wait3A_854, %dma_wait3A_855] : memref<1024x720x128xf32, #tpu.memory_space<hbm>> -> memref<1x720x128xf32, #tpu.memory_space<hbm>>
    %dma_wait3A_857 = tpu.memref_squeeze %dma_wait3A_856 : memref<1x720x128xf32, #tpu.memory_space<hbm>> -> memref<720x128xf32, #tpu.memory_space<hbm>>
    %dma_wait3A_858 = arith.constant 0 : i32
    %dma_wait3A_859 = tpu.memref_slice %arg6[%squeeze3A_360, %dma_wait3A_858] : memref<888x128xf32, #tpu.memory_space<vmem>> -> memref<720x128xf32, #tpu.memory_space<vmem>>
    tpu.wait_dma2 semaphore(%arg7 : memref<!tpu.dma_semaphore, #tpu.memory_space<semaphore_mem>>) src(%dma_wait3A_859 : memref<720x128xf32, #tpu.memory_space<vmem>>) dst(%dma_wait3A_857 : memref<720x128xf32, #tpu.memory_space<hbm>>)
    %dma_wait3A_860 = arith.constant 0 : i32
    %dma_wait3A_861 = tpu.memref_slice %arg6[%squeeze3A_381, %dma_wait3A_860] : memref<888x128xf32, #tpu.memory_space<vmem>> -> memref<720x128xf32, #tpu.memory_space<vmem>>
    %dma_wait3A_862 = arith.constant 0 : i32
    %dma_wait3A_863 = arith.constant 0 : i32
    %dma_wait3A_864 = tpu.memref_slice %arg4[%add3A_385, %dma_wait3A_862, %dma_wait3A_863] : memref<1024x720x128xf32, #tpu.memory_space<hbm>> -> memref<1x720x128xf32, #tpu.memory_space<hbm>>
    %dma_wait3A_865 = tpu.memref_squeeze %dma_wait3A_864 : memref<1x720x128xf32, #tpu.memory_space<hbm>> -> memref<720x128xf32, #tpu.memory_space<hbm>>
    %dma_wait3A_866 = arith.constant 0 : i32
    %dma_wait3A_867 = arith.constant 0 : i32
    %dma_wait3A_868 = tpu.memref_slice %arg4[%add3A_385, %dma_wait3A_866, %dma_wait3A_867] : memref<1024x720x128xf32, #tpu.memory_space<hbm>> -> memref<1x720x128xf32, #tpu.memory_space<hbm>>
    %dma_wait3A_869 = tpu.memref_squeeze %dma_wait3A_868 : memref<1x720x128xf32, #tpu.memory_space<hbm>> -> memref<720x128xf32, #tpu.memory_space<hbm>>
    %dma_wait3A_870 = arith.constant 0 : i32
    %dma_wait3A_871 = tpu.memref_slice %arg6[%squeeze3A_381, %dma_wait3A_870] : memref<888x128xf32, #tpu.memory_space<vmem>> -> memref<720x128xf32, #tpu.memory_space<vmem>>
    tpu.wait_dma2 semaphore(%arg7 : memref<!tpu.dma_semaphore, #tpu.memory_space<semaphore_mem>>) src(%dma_wait3A_871 : memref<720x128xf32, #tpu.memory_space<vmem>>) dst(%dma_wait3A_869 : memref<720x128xf32, #tpu.memory_space<hbm>>)
    %dma_wait3A_872 = arith.constant 0 : i32
    %dma_wait3A_873 = tpu.memref_slice %arg6[%squeeze3A_399, %dma_wait3A_872] : memref<888x128xf32, #tpu.memory_space<vmem>> -> memref<720x128xf32, #tpu.memory_space<vmem>>
    %dma_wait3A_874 = arith.constant 0 : i32
    %dma_wait3A_875 = arith.constant 0 : i32
    %dma_wait3A_876 = tpu.memref_slice %arg4[%add3A_403, %dma_wait3A_874, %dma_wait3A_875] : memref<1024x720x128xf32, #tpu.memory_space<hbm>> -> memref<1x720x128xf32, #tpu.memory_space<hbm>>
    %dma_wait3A_877 = tpu.memref_squeeze %dma_wait3A_876 : memref<1x720x128xf32, #tpu.memory_space<hbm>> -> memref<720x128xf32, #tpu.memory_space<hbm>>
    %dma_wait3A_878 = arith.constant 0 : i32
    %dma_wait3A_879 = arith.constant 0 : i32
    %dma_wait3A_880 = tpu.memref_slice %arg4[%add3A_403, %dma_wait3A_878, %dma_wait3A_879] : memref<1024x720x128xf32, #tpu.memory_space<hbm>> -> memref<1x720x128xf32, #tpu.memory_space<hbm>>
    %dma_wait3A_881 = tpu.memref_squeeze %dma_wait3A_880 : memref<1x720x128xf32, #tpu.memory_space<hbm>> -> memref<720x128xf32, #tpu.memory_space<hbm>>
    %dma_wait3A_882 = arith.constant 0 : i32
    %dma_wait3A_883 = tpu.memref_slice %arg6[%squeeze3A_399, %dma_wait3A_882] : memref<888x128xf32, #tpu.memory_space<vmem>> -> memref<720x128xf32, #tpu.memory_space<vmem>>
    tpu.wait_dma2 semaphore(%arg7 : memref<!tpu.dma_semaphore, #tpu.memory_space<semaphore_mem>>) src(%dma_wait3A_883 : memref<720x128xf32, #tpu.memory_space<vmem>>) dst(%dma_wait3A_881 : memref<720x128xf32, #tpu.memory_space<hbm>>)
    %dma_wait3A_884 = arith.constant 0 : i32
    %dma_wait3A_885 = tpu.memref_slice %arg6[%squeeze3A_417, %dma_wait3A_884] : memref<888x128xf32, #tpu.memory_space<vmem>> -> memref<720x128xf32, #tpu.memory_space<vmem>>
    %dma_wait3A_886 = arith.constant 0 : i32
    %dma_wait3A_887 = arith.constant 0 : i32
    %dma_wait3A_888 = tpu.memref_slice %arg4[%add3A_421, %dma_wait3A_886, %dma_wait3A_887] : memref<1024x720x128xf32, #tpu.memory_space<hbm>> -> memref<1x720x128xf32, #tpu.memory_space<hbm>>
    %dma_wait3A_889 = tpu.memref_squeeze %dma_wait3A_888 : memref<1x720x128xf32, #tpu.memory_space<hbm>> -> memref<720x128xf32, #tpu.memory_space<hbm>>
    %dma_wait3A_890 = arith.constant 0 : i32
    %dma_wait3A_891 = arith.constant 0 : i32
    %dma_wait3A_892 = tpu.memref_slice %arg4[%add3A_421, %dma_wait3A_890, %dma_wait3A_891] : memref<1024x720x128xf32, #tpu.memory_space<hbm>> -> memref<1x720x128xf32, #tpu.memory_space<hbm>>
    %dma_wait3A_893 = tpu.memref_squeeze %dma_wait3A_892 : memref<1x720x128xf32, #tpu.memory_space<hbm>> -> memref<720x128xf32, #tpu.memory_space<hbm>>
    %dma_wait3A_894 = arith.constant 0 : i32
    %dma_wait3A_895 = tpu.memref_slice %arg6[%squeeze3A_417, %dma_wait3A_894] : memref<888x128xf32, #tpu.memory_space<vmem>> -> memref<720x128xf32, #tpu.memory_space<vmem>>
    tpu.wait_dma2 semaphore(%arg7 : memref<!tpu.dma_semaphore, #tpu.memory_space<semaphore_mem>>) src(%dma_wait3A_895 : memref<720x128xf32, #tpu.memory_space<vmem>>) dst(%dma_wait3A_893 : memref<720x128xf32, #tpu.memory_space<hbm>>)
    %dma_wait3A_896 = arith.constant 0 : i32
    %dma_wait3A_897 = tpu.memref_slice %arg6[%squeeze3A_435, %dma_wait3A_896] : memref<888x128xf32, #tpu.memory_space<vmem>> -> memref<720x128xf32, #tpu.memory_space<vmem>>
    %dma_wait3A_898 = arith.constant 0 : i32
    %dma_wait3A_899 = arith.constant 0 : i32
    %dma_wait3A_900 = tpu.memref_slice %arg4[%add3A_439, %dma_wait3A_898, %dma_wait3A_899] : memref<1024x720x128xf32, #tpu.memory_space<hbm>> -> memref<1x720x128xf32, #tpu.memory_space<hbm>>
    %dma_wait3A_901 = tpu.memref_squeeze %dma_wait3A_900 : memref<1x720x128xf32, #tpu.memory_space<hbm>> -> memref<720x128xf32, #tpu.memory_space<hbm>>
    %dma_wait3A_902 = arith.constant 0 : i32
    %dma_wait3A_903 = arith.constant 0 : i32
    %dma_wait3A_904 = tpu.memref_slice %arg4[%add3A_439, %dma_wait3A_902, %dma_wait3A_903] : memref<1024x720x128xf32, #tpu.memory_space<hbm>> -> memref<1x720x128xf32, #tpu.memory_space<hbm>>
    %dma_wait3A_905 = tpu.memref_squeeze %dma_wait3A_904 : memref<1x720x128xf32, #tpu.memory_space<hbm>> -> memref<720x128xf32, #tpu.memory_space<hbm>>
    %dma_wait3A_906 = arith.constant 0 : i32
    %dma_wait3A_907 = tpu.memref_slice %arg6[%squeeze3A_435, %dma_wait3A_906] : memref<888x128xf32, #tpu.memory_space<vmem>> -> memref<720x128xf32, #tpu.memory_space<vmem>>
    tpu.wait_dma2 semaphore(%arg7 : memref<!tpu.dma_semaphore, #tpu.memory_space<semaphore_mem>>) src(%dma_wait3A_907 : memref<720x128xf32, #tpu.memory_space<vmem>>) dst(%dma_wait3A_905 : memref<720x128xf32, #tpu.memory_space<hbm>>)
    %dma_wait3A_908 = arith.constant 0 : i32
    %dma_wait3A_909 = tpu.memref_slice %arg6[%squeeze3A_453, %dma_wait3A_908] : memref<888x128xf32, #tpu.memory_space<vmem>> -> memref<720x128xf32, #tpu.memory_space<vmem>>
    %dma_wait3A_910 = arith.constant 0 : i32
    %dma_wait3A_911 = arith.constant 0 : i32
    %dma_wait3A_912 = tpu.memref_slice %arg4[%add3A_457, %dma_wait3A_910, %dma_wait3A_911] : memref<1024x720x128xf32, #tpu.memory_space<hbm>> -> memref<1x720x128xf32, #tpu.memory_space<hbm>>
    %dma_wait3A_913 = tpu.memref_squeeze %dma_wait3A_912 : memref<1x720x128xf32, #tpu.memory_space<hbm>> -> memref<720x128xf32, #tpu.memory_space<hbm>>
    %dma_wait3A_914 = arith.constant 0 : i32
    %dma_wait3A_915 = arith.constant 0 : i32
    %dma_wait3A_916 = tpu.memref_slice %arg4[%add3A_457, %dma_wait3A_914, %dma_wait3A_915] : memref<1024x720x128xf32, #tpu.memory_space<hbm>> -> memref<1x720x128xf32, #tpu.memory_space<hbm>>
    %dma_wait3A_917 = tpu.memref_squeeze %dma_wait3A_916 : memref<1x720x128xf32, #tpu.memory_space<hbm>> -> memref<720x128xf32, #tpu.memory_space<hbm>>
    %dma_wait3A_918 = arith.constant 0 : i32
    %dma_wait3A_919 = tpu.memref_slice %arg6[%squeeze3A_453, %dma_wait3A_918] : memref<888x128xf32, #tpu.memory_space<vmem>> -> memref<720x128xf32, #tpu.memory_space<vmem>>
    tpu.wait_dma2 semaphore(%arg7 : memref<!tpu.dma_semaphore, #tpu.memory_space<semaphore_mem>>) src(%dma_wait3A_919 : memref<720x128xf32, #tpu.memory_space<vmem>>) dst(%dma_wait3A_917 : memref<720x128xf32, #tpu.memory_space<hbm>>)
    %dma_wait3A_920 = arith.constant 0 : i32
    %dma_wait3A_921 = tpu.memref_slice %arg6[%squeeze3A_471, %dma_wait3A_920] : memref<888x128xf32, #tpu.memory_space<vmem>> -> memref<720x128xf32, #tpu.memory_space<vmem>>
    %dma_wait3A_922 = arith.constant 0 : i32
    %dma_wait3A_923 = arith.constant 0 : i32
    %dma_wait3A_924 = tpu.memref_slice %arg4[%add3A_475, %dma_wait3A_922, %dma_wait3A_923] : memref<1024x720x128xf32, #tpu.memory_space<hbm>> -> memref<1x720x128xf32, #tpu.memory_space<hbm>>
    %dma_wait3A_925 = tpu.memref_squeeze %dma_wait3A_924 : memref<1x720x128xf32, #tpu.memory_space<hbm>> -> memref<720x128xf32, #tpu.memory_space<hbm>>
    %dma_wait3A_926 = arith.constant 0 : i32
    %dma_wait3A_927 = arith.constant 0 : i32
    %dma_wait3A_928 = tpu.memref_slice %arg4[%add3A_475, %dma_wait3A_926, %dma_wait3A_927] : memref<1024x720x128xf32, #tpu.memory_space<hbm>> -> memref<1x720x128xf32, #tpu.memory_space<hbm>>
    %dma_wait3A_929 = tpu.memref_squeeze %dma_wait3A_928 : memref<1x720x128xf32, #tpu.memory_space<hbm>> -> memref<720x128xf32, #tpu.memory_space<hbm>>
    %dma_wait3A_930 = arith.constant 0 : i32
    %dma_wait3A_931 = tpu.memref_slice %arg6[%squeeze3A_471, %dma_wait3A_930] : memref<888x128xf32, #tpu.memory_space<vmem>> -> memref<720x128xf32, #tpu.memory_space<vmem>>
    tpu.wait_dma2 semaphore(%arg7 : memref<!tpu.dma_semaphore, #tpu.memory_space<semaphore_mem>>) src(%dma_wait3A_931 : memref<720x128xf32, #tpu.memory_space<vmem>>) dst(%dma_wait3A_929 : memref<720x128xf32, #tpu.memory_space<hbm>>)
    %dma_wait3A_932 = arith.constant 0 : i32
    %dma_wait3A_933 = tpu.memref_slice %arg6[%squeeze3A_489, %dma_wait3A_932] : memref<888x128xf32, #tpu.memory_space<vmem>> -> memref<720x128xf32, #tpu.memory_space<vmem>>
    %dma_wait3A_934 = arith.constant 0 : i32
    %dma_wait3A_935 = arith.constant 0 : i32
    %dma_wait3A_936 = tpu.memref_slice %arg4[%add3A_493, %dma_wait3A_934, %dma_wait3A_935] : memref<1024x720x128xf32, #tpu.memory_space<hbm>> -> memref<1x720x128xf32, #tpu.memory_space<hbm>>
    %dma_wait3A_937 = tpu.memref_squeeze %dma_wait3A_936 : memref<1x720x128xf32, #tpu.memory_space<hbm>> -> memref<720x128xf32, #tpu.memory_space<hbm>>
    %dma_wait3A_938 = arith.constant 0 : i32
    %dma_wait3A_939 = arith.constant 0 : i32
    %dma_wait3A_940 = tpu.memref_slice %arg4[%add3A_493, %dma_wait3A_938, %dma_wait3A_939] : memref<1024x720x128xf32, #tpu.memory_space<hbm>> -> memref<1x720x128xf32, #tpu.memory_space<hbm>>
    %dma_wait3A_941 = tpu.memref_squeeze %dma_wait3A_940 : memref<1x720x128xf32, #tpu.memory_space<hbm>> -> memref<720x128xf32, #tpu.memory_space<hbm>>
    %dma_wait3A_942 = arith.constant 0 : i32
    %dma_wait3A_943 = tpu.memref_slice %arg6[%squeeze3A_489, %dma_wait3A_942] : memref<888x128xf32, #tpu.memory_space<vmem>> -> memref<720x128xf32, #tpu.memory_space<vmem>>
    tpu.wait_dma2 semaphore(%arg7 : memref<!tpu.dma_semaphore, #tpu.memory_space<semaphore_mem>>) src(%dma_wait3A_943 : memref<720x128xf32, #tpu.memory_space<vmem>>) dst(%dma_wait3A_941 : memref<720x128xf32, #tpu.memory_space<hbm>>)
    %dma_wait3A_944 = arith.constant 0 : i32
    %dma_wait3A_945 = tpu.memref_slice %arg6[%squeeze3A_507, %dma_wait3A_944] : memref<888x128xf32, #tpu.memory_space<vmem>> -> memref<720x128xf32, #tpu.memory_space<vmem>>
    %dma_wait3A_946 = arith.constant 0 : i32
    %dma_wait3A_947 = arith.constant 0 : i32
    %dma_wait3A_948 = tpu.memref_slice %arg4[%add3A_511, %dma_wait3A_946, %dma_wait3A_947] : memref<1024x720x128xf32, #tpu.memory_space<hbm>> -> memref<1x720x128xf32, #tpu.memory_space<hbm>>
    %dma_wait3A_949 = tpu.memref_squeeze %dma_wait3A_948 : memref<1x720x128xf32, #tpu.memory_space<hbm>> -> memref<720x128xf32, #tpu.memory_space<hbm>>
    %dma_wait3A_950 = arith.constant 0 : i32
    %dma_wait3A_951 = arith.constant 0 : i32
    %dma_wait3A_952 = tpu.memref_slice %arg4[%add3A_511, %dma_wait3A_950, %dma_wait3A_951] : memref<1024x720x128xf32, #tpu.memory_space<hbm>> -> memref<1x720x128xf32, #tpu.memory_space<hbm>>
    %dma_wait3A_953 = tpu.memref_squeeze %dma_wait3A_952 : memref<1x720x128xf32, #tpu.memory_space<hbm>> -> memref<720x128xf32, #tpu.memory_space<hbm>>
    %dma_wait3A_954 = arith.constant 0 : i32
    %dma_wait3A_955 = tpu.memref_slice %arg6[%squeeze3A_507, %dma_wait3A_954] : memref<888x128xf32, #tpu.memory_space<vmem>> -> memref<720x128xf32, #tpu.memory_space<vmem>>
    tpu.wait_dma2 semaphore(%arg7 : memref<!tpu.dma_semaphore, #tpu.memory_space<semaphore_mem>>) src(%dma_wait3A_955 : memref<720x128xf32, #tpu.memory_space<vmem>>) dst(%dma_wait3A_953 : memref<720x128xf32, #tpu.memory_space<hbm>>)
    %dma_wait3A_956 = arith.constant 0 : i32
    %dma_wait3A_957 = tpu.memref_slice %arg6[%squeeze3A_525, %dma_wait3A_956] : memref<888x128xf32, #tpu.memory_space<vmem>> -> memref<720x128xf32, #tpu.memory_space<vmem>>
    %dma_wait3A_958 = arith.constant 0 : i32
    %dma_wait3A_959 = arith.constant 0 : i32
    %dma_wait3A_960 = tpu.memref_slice %arg4[%add3A_529, %dma_wait3A_958, %dma_wait3A_959] : memref<1024x720x128xf32, #tpu.memory_space<hbm>> -> memref<1x720x128xf32, #tpu.memory_space<hbm>>
    %dma_wait3A_961 = tpu.memref_squeeze %dma_wait3A_960 : memref<1x720x128xf32, #tpu.memory_space<hbm>> -> memref<720x128xf32, #tpu.memory_space<hbm>>
    %dma_wait3A_962 = arith.constant 0 : i32
    %dma_wait3A_963 = arith.constant 0 : i32
    %dma_wait3A_964 = tpu.memref_slice %arg4[%add3A_529, %dma_wait3A_962, %dma_wait3A_963] : memref<1024x720x128xf32, #tpu.memory_space<hbm>> -> memref<1x720x128xf32, #tpu.memory_space<hbm>>
    %dma_wait3A_965 = tpu.memref_squeeze %dma_wait3A_964 : memref<1x720x128xf32, #tpu.memory_space<hbm>> -> memref<720x128xf32, #tpu.memory_space<hbm>>
    %dma_wait3A_966 = arith.constant 0 : i32
    %dma_wait3A_967 = tpu.memref_slice %arg6[%squeeze3A_525, %dma_wait3A_966] : memref<888x128xf32, #tpu.memory_space<vmem>> -> memref<720x128xf32, #tpu.memory_space<vmem>>
    tpu.wait_dma2 semaphore(%arg7 : memref<!tpu.dma_semaphore, #tpu.memory_space<semaphore_mem>>) src(%dma_wait3A_967 : memref<720x128xf32, #tpu.memory_space<vmem>>) dst(%dma_wait3A_965 : memref<720x128xf32, #tpu.memory_space<hbm>>)
    %dma_wait3A_968 = arith.constant 0 : i32
    %dma_wait3A_969 = tpu.memref_slice %arg6[%squeeze3A_543, %dma_wait3A_968] : memref<888x128xf32, #tpu.memory_space<vmem>> -> memref<720x128xf32, #tpu.memory_space<vmem>>
    %dma_wait3A_970 = arith.constant 0 : i32
    %dma_wait3A_971 = arith.constant 0 : i32
    %dma_wait3A_972 = tpu.memref_slice %arg4[%add3A_547, %dma_wait3A_970, %dma_wait3A_971] : memref<1024x720x128xf32, #tpu.memory_space<hbm>> -> memref<1x720x128xf32, #tpu.memory_space<hbm>>
    %dma_wait3A_973 = tpu.memref_squeeze %dma_wait3A_972 : memref<1x720x128xf32, #tpu.memory_space<hbm>> -> memref<720x128xf32, #tpu.memory_space<hbm>>
    %dma_wait3A_974 = arith.constant 0 : i32
    %dma_wait3A_975 = arith.constant 0 : i32
    %dma_wait3A_976 = tpu.memref_slice %arg4[%add3A_547, %dma_wait3A_974, %dma_wait3A_975] : memref<1024x720x128xf32, #tpu.memory_space<hbm>> -> memref<1x720x128xf32, #tpu.memory_space<hbm>>
    %dma_wait3A_977 = tpu.memref_squeeze %dma_wait3A_976 : memref<1x720x128xf32, #tpu.memory_space<hbm>> -> memref<720x128xf32, #tpu.memory_space<hbm>>
    %dma_wait3A_978 = arith.constant 0 : i32
    %dma_wait3A_979 = tpu.memref_slice %arg6[%squeeze3A_543, %dma_wait3A_978] : memref<888x128xf32, #tpu.memory_space<vmem>> -> memref<720x128xf32, #tpu.memory_space<vmem>>
    tpu.wait_dma2 semaphore(%arg7 : memref<!tpu.dma_semaphore, #tpu.memory_space<semaphore_mem>>) src(%dma_wait3A_979 : memref<720x128xf32, #tpu.memory_space<vmem>>) dst(%dma_wait3A_977 : memref<720x128xf32, #tpu.memory_space<hbm>>)
    %dma_wait3A_980 = arith.constant 0 : i32
    %dma_wait3A_981 = tpu.memref_slice %arg6[%squeeze3A_561, %dma_wait3A_980] : memref<888x128xf32, #tpu.memory_space<vmem>> -> memref<720x128xf32, #tpu.memory_space<vmem>>
    %dma_wait3A_982 = arith.constant 0 : i32
    %dma_wait3A_983 = arith.constant 0 : i32
    %dma_wait3A_984 = tpu.memref_slice %arg4[%add3A_565, %dma_wait3A_982, %dma_wait3A_983] : memref<1024x720x128xf32, #tpu.memory_space<hbm>> -> memref<1x720x128xf32, #tpu.memory_space<hbm>>
    %dma_wait3A_985 = tpu.memref_squeeze %dma_wait3A_984 : memref<1x720x128xf32, #tpu.memory_space<hbm>> -> memref<720x128xf32, #tpu.memory_space<hbm>>
    %dma_wait3A_986 = arith.constant 0 : i32
    %dma_wait3A_987 = arith.constant 0 : i32
    %dma_wait3A_988 = tpu.memref_slice %arg4[%add3A_565, %dma_wait3A_986, %dma_wait3A_987] : memref<1024x720x128xf32, #tpu.memory_space<hbm>> -> memref<1x720x128xf32, #tpu.memory_space<hbm>>
    %dma_wait3A_989 = tpu.memref_squeeze %dma_wait3A_988 : memref<1x720x128xf32, #tpu.memory_space<hbm>> -> memref<720x128xf32, #tpu.memory_space<hbm>>
    %dma_wait3A_990 = arith.constant 0 : i32
    %dma_wait3A_991 = tpu.memref_slice %arg6[%squeeze3A_561, %dma_wait3A_990] : memref<888x128xf32, #tpu.memory_space<vmem>> -> memref<720x128xf32, #tpu.memory_space<vmem>>
    tpu.wait_dma2 semaphore(%arg7 : memref<!tpu.dma_semaphore, #tpu.memory_space<semaphore_mem>>) src(%dma_wait3A_991 : memref<720x128xf32, #tpu.memory_space<vmem>>) dst(%dma_wait3A_989 : memref<720x128xf32, #tpu.memory_space<hbm>>)
    %dma_wait3A_992 = arith.constant 0 : i32
    %dma_wait3A_993 = tpu.memref_slice %arg6[%squeeze3A_579, %dma_wait3A_992] : memref<888x128xf32, #tpu.memory_space<vmem>> -> memref<720x128xf32, #tpu.memory_space<vmem>>
    %dma_wait3A_994 = arith.constant 0 : i32
    %dma_wait3A_995 = arith.constant 0 : i32
    %dma_wait3A_996 = tpu.memref_slice %arg4[%add3A_583, %dma_wait3A_994, %dma_wait3A_995] : memref<1024x720x128xf32, #tpu.memory_space<hbm>> -> memref<1x720x128xf32, #tpu.memory_space<hbm>>
    %dma_wait3A_997 = tpu.memref_squeeze %dma_wait3A_996 : memref<1x720x128xf32, #tpu.memory_space<hbm>> -> memref<720x128xf32, #tpu.memory_space<hbm>>
    %dma_wait3A_998 = arith.constant 0 : i32
    %dma_wait3A_999 = arith.constant 0 : i32
    %dma_wait3A_1000 = tpu.memref_slice %arg4[%add3A_583, %dma_wait3A_998, %dma_wait3A_999] : memref<1024x720x128xf32, #tpu.memory_space<hbm>> -> memref<1x720x128xf32, #tpu.memory_space<hbm>>
    %dma_wait3A_1001 = tpu.memref_squeeze %dma_wait3A_1000 : memref<1x720x128xf32, #tpu.memory_space<hbm>> -> memref<720x128xf32, #tpu.memory_space<hbm>>
    %dma_wait3A_1002 = arith.constant 0 : i32
    %dma_wait3A_1003 = tpu.memref_slice %arg6[%squeeze3A_579, %dma_wait3A_1002] : memref<888x128xf32, #tpu.memory_space<vmem>> -> memref<720x128xf32, #tpu.memory_space<vmem>>
    tpu.wait_dma2 semaphore(%arg7 : memref<!tpu.dma_semaphore, #tpu.memory_space<semaphore_mem>>) src(%dma_wait3A_1003 : memref<720x128xf32, #tpu.memory_space<vmem>>) dst(%dma_wait3A_1001 : memref<720x128xf32, #tpu.memory_space<hbm>>)
    %dma_wait3A_1004 = arith.constant 0 : i32
    %dma_wait3A_1005 = tpu.memref_slice %arg6[%squeeze3A_597, %dma_wait3A_1004] : memref<888x128xf32, #tpu.memory_space<vmem>> -> memref<720x128xf32, #tpu.memory_space<vmem>>
    %dma_wait3A_1006 = arith.constant 0 : i32
    %dma_wait3A_1007 = arith.constant 0 : i32
    %dma_wait3A_1008 = tpu.memref_slice %arg4[%add3A_601, %dma_wait3A_1006, %dma_wait3A_1007] : memref<1024x720x128xf32, #tpu.memory_space<hbm>> -> memref<1x720x128xf32, #tpu.memory_space<hbm>>
    %dma_wait3A_1009 = tpu.memref_squeeze %dma_wait3A_1008 : memref<1x720x128xf32, #tpu.memory_space<hbm>> -> memref<720x128xf32, #tpu.memory_space<hbm>>
    %dma_wait3A_1010 = arith.constant 0 : i32
    %dma_wait3A_1011 = arith.constant 0 : i32
    %dma_wait3A_1012 = tpu.memref_slice %arg4[%add3A_601, %dma_wait3A_1010, %dma_wait3A_1011] : memref<1024x720x128xf32, #tpu.memory_space<hbm>> -> memref<1x720x128xf32, #tpu.memory_space<hbm>>
    %dma_wait3A_1013 = tpu.memref_squeeze %dma_wait3A_1012 : memref<1x720x128xf32, #tpu.memory_space<hbm>> -> memref<720x128xf32, #tpu.memory_space<hbm>>
    %dma_wait3A_1014 = arith.constant 0 : i32
    %dma_wait3A_1015 = tpu.memref_slice %arg6[%squeeze3A_597, %dma_wait3A_1014] : memref<888x128xf32, #tpu.memory_space<vmem>> -> memref<720x128xf32, #tpu.memory_space<vmem>>
    tpu.wait_dma2 semaphore(%arg7 : memref<!tpu.dma_semaphore, #tpu.memory_space<semaphore_mem>>) src(%dma_wait3A_1015 : memref<720x128xf32, #tpu.memory_space<vmem>>) dst(%dma_wait3A_1013 : memref<720x128xf32, #tpu.memory_space<hbm>>)
    %dma_wait3A_1016 = arith.constant 0 : i32
    %dma_wait3A_1017 = tpu.memref_slice %arg6[%squeeze3A_615, %dma_wait3A_1016] : memref<888x128xf32, #tpu.memory_space<vmem>> -> memref<720x128xf32, #tpu.memory_space<vmem>>
    %dma_wait3A_1018 = arith.constant 0 : i32
    %dma_wait3A_1019 = arith.constant 0 : i32
    %dma_wait3A_1020 = tpu.memref_slice %arg4[%add3A_619, %dma_wait3A_1018, %dma_wait3A_1019] : memref<1024x720x128xf32, #tpu.memory_space<hbm>> -> memref<1x720x128xf32, #tpu.memory_space<hbm>>
    %dma_wait3A_1021 = tpu.memref_squeeze %dma_wait3A_1020 : memref<1x720x128xf32, #tpu.memory_space<hbm>> -> memref<720x128xf32, #tpu.memory_space<hbm>>
    %dma_wait3A_1022 = arith.constant 0 : i32
    %dma_wait3A_1023 = arith.constant 0 : i32
    %dma_wait3A_1024 = tpu.memref_slice %arg4[%add3A_619, %dma_wait3A_1022, %dma_wait3A_1023] : memref<1024x720x128xf32, #tpu.memory_space<hbm>> -> memref<1x720x128xf32, #tpu.memory_space<hbm>>
    %dma_wait3A_1025 = tpu.memref_squeeze %dma_wait3A_1024 : memref<1x720x128xf32, #tpu.memory_space<hbm>> -> memref<720x128xf32, #tpu.memory_space<hbm>>
    %dma_wait3A_1026 = arith.constant 0 : i32
    %dma_wait3A_1027 = tpu.memref_slice %arg6[%squeeze3A_615, %dma_wait3A_1026] : memref<888x128xf32, #tpu.memory_space<vmem>> -> memref<720x128xf32, #tpu.memory_space<vmem>>
    tpu.wait_dma2 semaphore(%arg7 : memref<!tpu.dma_semaphore, #tpu.memory_space<semaphore_mem>>) src(%dma_wait3A_1027 : memref<720x128xf32, #tpu.memory_space<vmem>>) dst(%dma_wait3A_1025 : memref<720x128xf32, #tpu.memory_space<hbm>>)
    %dma_wait3A_1028 = arith.constant 0 : i32
    %dma_wait3A_1029 = tpu.memref_slice %arg6[%squeeze3A_633, %dma_wait3A_1028] : memref<888x128xf32, #tpu.memory_space<vmem>> -> memref<720x128xf32, #tpu.memory_space<vmem>>
    %dma_wait3A_1030 = arith.constant 0 : i32
    %dma_wait3A_1031 = arith.constant 0 : i32
    %dma_wait3A_1032 = tpu.memref_slice %arg4[%add3A_637, %dma_wait3A_1030, %dma_wait3A_1031] : memref<1024x720x128xf32, #tpu.memory_space<hbm>> -> memref<1x720x128xf32, #tpu.memory_space<hbm>>
    %dma_wait3A_1033 = tpu.memref_squeeze %dma_wait3A_1032 : memref<1x720x128xf32, #tpu.memory_space<hbm>> -> memref<720x128xf32, #tpu.memory_space<hbm>>
    %dma_wait3A_1034 = arith.constant 0 : i32
    %dma_wait3A_1035 = arith.constant 0 : i32
    %dma_wait3A_1036 = tpu.memref_slice %arg4[%add3A_637, %dma_wait3A_1034, %dma_wait3A_1035] : memref<1024x720x128xf32, #tpu.memory_space<hbm>> -> memref<1x720x128xf32, #tpu.memory_space<hbm>>
    %dma_wait3A_1037 = tpu.memref_squeeze %dma_wait3A_1036 : memref<1x720x128xf32, #tpu.memory_space<hbm>> -> memref<720x128xf32, #tpu.memory_space<hbm>>
    %dma_wait3A_1038 = arith.constant 0 : i32
    %dma_wait3A_1039 = tpu.memref_slice %arg6[%squeeze3A_633, %dma_wait3A_1038] : memref<888x128xf32, #tpu.memory_space<vmem>> -> memref<720x128xf32, #tpu.memory_space<vmem>>
    tpu.wait_dma2 semaphore(%arg7 : memref<!tpu.dma_semaphore, #tpu.memory_space<semaphore_mem>>) src(%dma_wait3A_1039 : memref<720x128xf32, #tpu.memory_space<vmem>>) dst(%dma_wait3A_1037 : memref<720x128xf32, #tpu.memory_space<hbm>>)
    %dma_wait3A_1040 = arith.constant 0 : i32
    %dma_wait3A_1041 = tpu.memref_slice %arg6[%squeeze3A_651, %dma_wait3A_1040] : memref<888x128xf32, #tpu.memory_space<vmem>> -> memref<720x128xf32, #tpu.memory_space<vmem>>
    %dma_wait3A_1042 = arith.constant 0 : i32
    %dma_wait3A_1043 = arith.constant 0 : i32
    %dma_wait3A_1044 = tpu.memref_slice %arg4[%add3A_655, %dma_wait3A_1042, %dma_wait3A_1043] : memref<1024x720x128xf32, #tpu.memory_space<hbm>> -> memref<1x720x128xf32, #tpu.memory_space<hbm>>
    %dma_wait3A_1045 = tpu.memref_squeeze %dma_wait3A_1044 : memref<1x720x128xf32, #tpu.memory_space<hbm>> -> memref<720x128xf32, #tpu.memory_space<hbm>>
    %dma_wait3A_1046 = arith.constant 0 : i32
    %dma_wait3A_1047 = arith.constant 0 : i32
    %dma_wait3A_1048 = tpu.memref_slice %arg4[%add3A_655, %dma_wait3A_1046, %dma_wait3A_1047] : memref<1024x720x128xf32, #tpu.memory_space<hbm>> -> memref<1x720x128xf32, #tpu.memory_space<hbm>>
    %dma_wait3A_1049 = tpu.memref_squeeze %dma_wait3A_1048 : memref<1x720x128xf32, #tpu.memory_space<hbm>> -> memref<720x128xf32, #tpu.memory_space<hbm>>
    %dma_wait3A_1050 = arith.constant 0 : i32
    %dma_wait3A_1051 = tpu.memref_slice %arg6[%squeeze3A_651, %dma_wait3A_1050] : memref<888x128xf32, #tpu.memory_space<vmem>> -> memref<720x128xf32, #tpu.memory_space<vmem>>
    tpu.wait_dma2 semaphore(%arg7 : memref<!tpu.dma_semaphore, #tpu.memory_space<semaphore_mem>>) src(%dma_wait3A_1051 : memref<720x128xf32, #tpu.memory_space<vmem>>) dst(%dma_wait3A_1049 : memref<720x128xf32, #tpu.memory_space<hbm>>)
    return
  }
}

</mosaic_0001>

<sc_bundles>
// kernel: kernel.3.cloned.1.call-start
scs
__scs_entry_jumppad:
0x0: {  	(pc) =	sbr.rel $0x88, $3  }
0x1: {  	(tag) =	ssettag $0x0;
	lr =	simm.s32 $0x1  }
0x2: {  	[smem:$0x3F9E] =	sst lr;
	_ =	strace $0xD0000000  }
0x3: {  	_ = 	snop  }
0x4: {  	_ = 	snop  }
0x5: {  	_ = 	snop  }
0x6: {  	_ = 	snop  }
0x7: {  	_ = 	snop  }
__scs_overlays_trampoline_lowered:
0x8: {  	[smem:$0x3FAD] =	sst s0  }
0x9: {  	[smem:$0x3FAE] =	sst s1  }
0xa: {  	[smem:$0x3FAF] =	sst s2  }
0xb: {  	[smem:$0x3FB0] =	sst s3  }
0xc: {  	[smem:$0x3FB1] =	sst s4  }
0xd: {  	[smem:$0x3FB2] =	sst s5  }
0xe: {  	[smem:$0x3FB3] =	sst s6  }
0xf: {  	[smem:$0x3FB4] =	sst s7  }
0x10: {  	[smem:$0x3FB5] =	sst s8  }
0x11: {  	[smem:$0x3FB6] =	sst s9;
	s0 =	simm.s32 @!p0 $0x0  }
0x12: {  	s1 =	sld [smem:$0x3F9C];
	s0 =	simm.s32 @p0 $0x1  }
0x13: {  	[smem:$0x3FB7] =	sst s0;
	s0 =	simm.s32 @!p1 $0x0  }
0x14: {  	s2 =	sld [smem:$0x3F9B];
	s0 =	simm.s32 @p1 $0x1  }
0x15: {  	[smem:$0x3FB8] =	sst s0;
	s0 =	simm.s32 @!p2 $0x0  }
0x16: {  	s3 =	sld [smem:$0x3FDB];
	s0 =	simm.s32 @p2 $0x1  }
0x17: {  	s4 =	simm.s32 $0x1BF5;
	[smem:$0x3FBA] =	sst s0  }
0x18: {  	s0 =	sld [smem:$0x3F9D];
	_ =	swait.ge [sflag:s4], $0x0  }
0x19: {  	s7 =	sld [smem:$0x3F9E]  }
0x1a: {  	s8 =	sadd.s32 $0xFFFFE003, lr  }
0x1b: {  	s9 =	sadd.s32 $0xFFFFFEF7, lr;
	s5 =	simm.s32 $0xFFFFFFFF;
	p2 =	slt.u32 s8, $0xFFFFF086  }
0x1c: {  	p1 =	slt.u32 s9, $0xF7A;
	s5 =	simm.s32 @!p2 $0x0  }
0x1d: {  	s5 =	simm.s32 @p1 $0x1;
	p0 =	seq.s32 s7, s2  }
0x1e: {  	s7 =	smul.u32 @!p0 $0xF7A, s2;
	p2 =	seq.s32 @!p0 s5, $0x0  }
0x1f: {  	s9 =	smul.u32 $0xF7A, s1;
	s8 =	simm.s32 @!p0 $0x1BF5;
	p2 =	por !p2, p0  }
0x20: {  	[sflag:s8] =	ssyncset.s32 @!p0 $0xFFFFF086;
	s6 =	sadd.s32 @!p0 s3, s7;
	s7 =	simm.s32 @!p0 $0x108  }
0x21: {  	s3 =	sadd.s32 s3, s9;
	s6 =	sadd.s32 @!p0 $0x88, s6;
	s7 =	simm.s32 @p2 $0x1082  }
0x22: {  	[simem:s7], [sflag:s8] =	dma.local @!p0 [hbm:s6], $0xF7A  }
0x23: {  	s9 =	sor.u32 $0xD0000000, s2;
	s6 =	simm.s32 $0x108;
	_ =	swait.ge @!p0 [sflag:s8], $0x0  }
0x24: {  	s3 =	sadd.s32 $0x88, s3;
	s6 =	simm.s32 @!p1 $0x1082;
	[sflag:s4] =	ssyncset.s32 $0xFFFFF086  }
0x25: {  	[simem:s6], [sflag:s4] =	dma.local [hbm:s3], $0xF7A  }
0x26: {  	[smem:$0x3F9E] =	sst s1;
	(tag) =	ssettag s2;
	_ =	strace s9  }
0x27: {  	s1 =	sld [smem:$0x3FAE]  }
0x28: {  	s2 =	sld [smem:$0x3FAF]  }
0x29: {  	s4 =	sld [smem:$0x3FB1]  }
0x2a: {  	p0 =	seq.s32 s5, $0x0;
	s5 =	sld [smem:$0x3FB2]  }
0x2b: {  	s6 =	sld [smem:$0x3FB3]  }
0x2c: {  	s7 =	sld [smem:$0x3FB4]  }
0x2d: {  	s3 =	simm.s32 $0x108;
	s8 =	sld [smem:$0x3FB5]  }
0x2e: {  	s3 =	simm.s32 @!p0 $0x1082;
	s9 =	sld [smem:$0x3FB6]  }
0x2f: {  	lr =	sadd.s32 s0, s3;
	s0 =	sld [smem:$0x3FAD]  }
0x30: {  	s3 =	sld [smem:$0x3FB0]  }
0x31: {  	[smem:$0x3FB9] =	sst s10  }
0x32: {  	s10 =	sld [smem:$0x3FB7];
	_ =	sdelay $0x3  }
0x33: {  	p0 =	seq.s32 s10, $0x1;
	s10 =	sld [smem:$0x3FB9];
	_ =	sdelay $0x3  }
0x34: {  	[smem:$0x3FB9] =	sst s10  }
0x35: {  	s10 =	sld [smem:$0x3FB8];
	_ =	sdelay $0x3  }
0x36: {  	p1 =	seq.s32 s10, $0x1;
	s10 =	sld [smem:$0x3FB9];
	_ =	sdelay $0x3  }
0x37: {  	[smem:$0x3FB9] =	sst s10  }
0x38: {  	s10 =	sld [smem:$0x3FBA]  }
0x39: {  	_ = 	snop;
	(pc) =	sbr.ind lr, $3  }
0x3a: {  	_ = 	snop  }
0x3b: {  	_ = 	snop  }
0x3c: {  	p2 =	seq.s32 s10, $0x1;
	s10 =	sld [smem:$0x3FB9]  }
0x3d: {  	_ =	shalt  }
0x3e: {  	_ =	shalt  }
0x3f: {  	_ =	shalt  }
0x40: {  	_ =	shalt  }
0x41: {  	_ =	shalt  }
0x42: {  	_ =	shalt  }
0x43: {  	_ =	shalt  }
0x44: {  	_ =	shalt  }
0x45: {  	_ =	shalt  }
0x46: {  	_ =	shalt  }
0x47: {  	_ =	shalt  }
0x48: {  	_ =	shalt  }
0x49: {  	_ =	shalt  }
0x4a: {  	_ =	shalt  }
0x4b: {  	_ =	shalt  }
0x4c: {  	_ =	shalt  }
0x4d: {  	_ =	shalt  }
0x4e: {  	_ =	shalt  }
0x4f: {  	_ =	shalt  }
0x50: {  	_ =	shalt  }
0x51: {  	_ =	shalt  }
0x52: {  	_ =	shalt  }
0x53: {  	_ =	shalt  }
0x54: {  	_ =	shalt  }
0x55: {  	_ =	shalt  }
0x56: {  	_ =	shalt  }
0x57: {  	_ =	shalt  }
0x58: {  	_ =	shalt  }
0x59: {  	_ =	shalt  }
0x5a: {  	_ =	shalt  }
0x5b: {  	_ =	shalt  }
0x5c: {  	_ =	shalt  }
0x5d: {  	_ =	shalt  }
0x5e: {  	_ =	shalt  }
0x5f: {  	_ =	shalt  }
0x60: {  	_ =	shalt  }
0x61: {  	_ =	shalt  }
0x62: {  	_ =	shalt  }
0x63: {  	_ =	shalt  }
0x64: {  	_ =	shalt  }
0x65: {  	_ =	shalt  }
0x66: {  	_ =	shalt  }
0x67: {  	_ =	shalt  }
0x68: {  	_ =	shalt  }
0x69: {  	_ =	shalt  }
0x6a: {  	_ =	shalt  }
0x6b: {  	_ =	shalt  }
0x6c: {  	_ =	shalt  }
0x6d: {  	_ =	shalt  }
0x6e: {  	_ =	shalt  }
0x6f: {  	_ =	shalt  }
0x70: {  	_ =	shalt  }
0x71: {  	_ =	shalt  }
0x72: {  	_ =	shalt  }
0x73: {  	_ =	shalt  }
0x74: {  	_ =	shalt  }
0x75: {  	_ =	shalt  }
0x76: {  	_ =	shalt  }
0x77: {  	_ =	shalt  }
0x78: {  	_ =	shalt  }
0x79: {  	_ =	shalt  }
0x7a: {  	_ =	shalt  }
0x7b: {  	_ =	shalt  }
0x7c: {  	_ =	shalt  }
0x7d: {  	_ =	shalt  }
0x7e: {  	_ =	shalt  }
0x7f: {  	_ =	shalt  }
0x80: {  	_ =	shalt  }
0x81: {  	_ =	shalt  }
0x82: {  	_ =	shalt  }
0x83: {  	_ =	shalt  }
0x84: {  	_ =	shalt  }
0x85: {  	_ =	shalt  }
0x86: {  	_ =	shalt  }
0x87: {  	_ =	shalt  }
.Lfunc_end0:
.L_simem_size_0:
called_computation_lowered:
.L_overlay_start_0:
0x88: {  	s2 =	sld [smem:$0x3FD9]  }
0x89: {  	s3 =	sld [smem:$0x3FFE];
	_ =	sdelay $0x1  }
0x8a: {  	s1 =	srdreg.scid  }
0x8b: {  	s0 =	sand.u32 $0x1, s1  }
0x8c: {  	s17 =	sshll.u32 s0, $0xA;
	s2 =	sadd.s32 s3, s2  }
0x8d: {  	s2 =	sadd.s32 s2, s17  }
0x8e: {  	[smem:$0x3FC5] =	sst s2  }
0x8f: {  	_ = 	snop  }
0x90: {  	s2 =	sld [smem:$0x3FC7]  }
0x91: {  	s18 =	sld [smem:$0x3FD0];
	(tm) =	ssettm $0x1  }
0x92: {  	s4 =	sld [smem:$0x3FFB];
	_ =	sdelay $0x3  }
0x93: {  	_ =	strace s4  }
0x94: {  	s4 =	sld [smem:$0x3FFC];
	_ =	sdelay $0x3  }
0x95: {  	_ =	strace s4  }
0x96: {  	s4 =	sld [smem:$0x3FFD];
	_ =	sdelay $0x3  }
0x97: {  	_ =	strace s4  }
0x98: {  	_ =	strace $0x8FFFFFFF  }
0x99: {  	s19 =	sld [smem:$0x3FDB];
	_ =	sdelay $0x1  }
0x9a: {  	s5 =	simm.s32 $_scs_section_size  }
0x9b: {  	s6 =	simm.s32 $_size__tile_overlayer_lowered;
	s7 =	simm.s32 $_tile_overlayer_lowered  }
0x9c: {  	s22 =	simm.s32 $0x1BFF;
	s21 =	sshll.u32 s7, $0x1;
	s4 =	sadd.s32 s5, s19  }
0x9d: {  	s8 =	simm.s32 $0x0;
	s20 =	sshll.u32 s6, $0x1;
	s6 =	sadd.s32 s21, s4  }
0x9e: {  	[timem:s8], [sflag:s22] =	dma.local [hbm:s6], s20  }
0x9f: {  	_ =	swait.ge [sflag:s22], s20  }
0xa0: {  	s5 =	ssub.s32 $0x0, s20;
	[sflag:s22] =	ssyncset.done $0x0  }
0xa1: {  	[sflag:s22] =	ssyncadd.s32 s5;
	_ =	sdelay $0x1  }
0xa2: {  	s23 =	simm.s32 $0x1B8B  }
0xa3: {  	_ =	swait.ge [sflag:s23], $0x1  }
0xa4: {  	[sflag:s23] =	ssyncset.done $0x0  }
0xa5: {  	s25 =	simm.s32 $0x1B8E;
	s24 =	sld [smem:$0x3FFE];
	[sflag:s23] =	ssyncadd.s32 $0xFFFFFFFF  }
0xa6: {  	s26 =	simm.s32 $execute0_lowered;
	[smem:$0x3FD2] =	sst s25  }
0xa7: {  	s6 =	sshll.u32 s26, $0x1;
	_ =	strace $0x80000046;
	[dreg:$0x1] =	wrdreg $0xFFFFFFFF  }
0xa8: {  	s28 =	simm.s32 $_size_execute0_lowered;
	s4 =	sadd.s32 s4, s6;
	[dreg:$0x0] =	wrdreg $0x0  }
0xa9: {  	s6 =	sshll.u32 s28, $0x1;
	[dreg:$0x2] =	wrdreg s4  }
0xaa: {  	[dreg:$0x3] =	wrdreg s6  }
0xab: {  	[dreg:$0x4] =	wrdreg $0xC0  }
0xac: {  	_ =	task [dreg:s8], $0x5FFFF  }
0xad: {  	[dreg:$0x1] =	wrdreg $0xFFFFFFFF  }
0xae: {  	[dreg:$0x0] =	wrdreg $0x60  }
0xaf: {  	[dreg:$0x2] =	wrdreg s24  }
0xb0: {  	[dreg:$0x3] =	wrdreg s2  }
0xb1: {  	[dreg:$0x4] =	wrdreg s18  }
0xb2: {  	[dreg:$0x5] =	wrdreg $0x9  }
0xb3: {  	_ =	task.clear_ibuf [dreg:s8], $0x6FFFF;
	_ =	strace $0x90000046  }
0xb4: {  	s29 =	simm.s32 $0x9;
	_ =	strace $0x80000048  }
0xb5: {  	_ =	swait.ge [sflag:s29], $0x1  }
0xb6: {  	[sflag:s29] =	ssyncadd.s32 $0xFFFFFFFF  }
0xb7: {  	_ =	strace $0x90000048  }
0xb8: {  	_ =	sfence  }
0xb9: {  	s30 =	sld [smem:$0x0];
	_ =	sdelay $0x2  }
0xba: {  	s31 =	sshll.u32 s1, $0xD;
	s1 =	sshrl.u32 s1, $0x2  }
0xbb: {  	s3 =	sand.u32 $0x4000, s31;
	s1 =	sadd.s32 s1, s30  }
0xbc: {  	s0 =	sor.u32 s3, s0;
	s1 =	sshll.u32 s1, $0x11  }
0xbd: {  	s0 =	sor.u32 s1, s0  }
0xbe: {  	s0 =	sadd.s32 $0x8F2B, s0  }
0xbf: {  	[sflag:s0] =	ssyncadd.remote.s32 $0x1  }
0xc0: {  	_ =	sfence.sel $0xFFFF  }
0xc1: {  	[dreg:$0x0] =	wrdreg $0xFFFFFFFF;
	(pc) =	sbr.abs _section_cstart, $3  }
0xc2: {  	[dreg:$0x1] =	wrdreg $0xFFFFFFFF  }
0xc3: {  	_ =	task.clear_ibuf [dreg:s8], $0x2FFFF;
	_ =	strace $0x9FFFFFFF  }
0xc4: {  	(tm) =	ssettm $0x7FFFFFFF  }
0xc5: {  	_ =	shalt  }
tec
execute0_lowered:
.L_overlay_start_1:
0x0: {  	(tag) =	ssettag $0x1  }
0x1: {  	s5 =	rddreg [dreg:$0x0];
	s1 =	srdreg.scid  }
0x2: {  	s4 =	rddreg [dreg:$0x1];
	s0 =	stileid.u32;
	s2 =	sand.u32 $0x1, s1  }
0x3: {  	s6 =	rddreg [dreg:$0x2];
	s3 =	sshll.u32 s0, $0x6;
	s7 =	sshll.u32 s2, $0x5  }
0x4: {  	s1 =	rddreg [dreg:$0x3];
	s7 =	sor.u32 s7, s3  }
0x5: {  	s3 =	simm.s32 $0x0;
	s8 =	sshrl.u32 s7, $0x3;
	s9 =	smul.u32 $0x16800, s7  }
0x6: {  	[smem:$0x7FF] =	sst s3;
	s7 =	smul.u32 $0x2D00, s7;
	s5 =	sadd.s32 s8, s5  }
0x7: {  	_ =	strace $0x80000047;
	s5 =	sadd.s32 $0x400, s5;
	s15 =	sshrl.u32 s9, $0x3  }
0x8: {  	s16 =	sadd.s32 s6, s7;
	[dreg:$0x4] =	wrdreg s5;
	s6 =	sadd.s32 s6, s15  }
0x9: {  	[dreg:$0x5] =	wrdreg s16;
	s17 =	sadd.s32 $0x2D00, s6  }
0xa: {  	s18 =	sadd.s32 $0x5A00, s6;
	[dreg:$0x6] =	wrdreg s17  }
0xb: {  	s19 =	sadd.s32 $0x8700, s6;
	[dreg:$0x7] =	wrdreg s18  }
0xc: {  	s20 =	sadd.s32 $0xB400, s6;
	[dreg:$0x8] =	wrdreg s19  }
0xd: {  	s21 =	sadd.s32 $0xE100, s6;
	[dreg:$0x9] =	wrdreg s20  }
0xe: {  	s22 =	sadd.s32 $0x10E00, s6;
	[dreg:$0xa] =	wrdreg s21  }
0xf: {  	s23 =	sadd.s32 $0x13B00, s6;
	[dreg:$0xb] =	wrdreg s22  }
0x10: {  	s24 =	sadd.s32 $0x16800, s6;
	[dreg:$0xc] =	wrdreg s23  }
0x11: {  	s25 =	sadd.s32 $0x19500, s6;
	[dreg:$0xd] =	wrdreg s24  }
0x12: {  	s26 =	sadd.s32 $0x1C200, s6;
	[dreg:$0xe] =	wrdreg s25  }
0x13: {  	s28 =	sadd.s32 $0x1EF00, s6;
	[dreg:$0xf] =	wrdreg s26  }
0x14: {  	s29 =	sadd.s32 $0x21C00, s6;
	[dreg:$0x10] =	wrdreg s28  }
0x15: {  	s30 =	sadd.s32 $0x24900, s6;
	[dreg:$0x11] =	wrdreg s29  }
0x16: {  	s31 =	sadd.s32 $0x27600, s6;
	[dreg:$0x12] =	wrdreg s30  }
0x17: {  	s7 =	sadd.s32 $0x2A300, s6;
	[dreg:$0x13] =	wrdreg s31  }
0x18: {  	s8 =	sadd.s32 $0x2D000, s6;
	[dreg:$0x14] =	wrdreg s7  }
0x19: {  	s9 =	sadd.s32 $0x2FD00, s6;
	[dreg:$0x15] =	wrdreg s8  }
0x1a: {  	s10 =	sadd.s32 $0x32A00, s6;
	[dreg:$0x16] =	wrdreg s9  }
0x1b: {  	s11 =	sadd.s32 $0x35700, s6;
	[dreg:$0x17] =	wrdreg s10  }
0x1c: {  	s12 =	sadd.s32 $0x38400, s6;
	[dreg:$0x18] =	wrdreg s11  }
0x1d: {  	s13 =	sadd.s32 $0x3B100, s6;
	[dreg:$0x19] =	wrdreg s12  }
0x1e: {  	s14 =	sadd.s32 $0x3DE00, s6;
	[dreg:$0x1a] =	wrdreg s13  }
0x1f: {  	s15 =	sadd.s32 $0x40B00, s6;
	[dreg:$0x1b] =	wrdreg s14  }
0x20: {  	s16 =	sadd.s32 $0x43800, s6;
	[dreg:$0x1c] =	wrdreg s15  }
0x21: {  	[dreg:$0x1d] =	wrdreg s16;
	s17 =	sadd.s32 $0x46500, s6  }
0x22: {  	s18 =	sadd.s32 $0x49200, s6;
	[dreg:$0x1e] =	wrdreg s17  }
0x23: {  	s19 =	sadd.s32 $0x4BF00, s6;
	[dreg:$0x1f] =	wrdreg s18  }
0x24: {  	s20 =	sadd.s32 $0x4EC00, s6;
	[smem:$0x7F3] =	sst s19  }
0x25: {  	s21 =	sadd.s32 $0x51900, s6;
	[smem:$0x7F4] =	sst s20  }
0x26: {  	s2 =	ssub.s32 $0x2, s2;
	s22 =	sadd.s32 $0x54600, s6;
	[smem:$0x7F5] =	sst s21  }
0x27: {  	s23 =	sadd.s32 $0x57300, s6;
	s28 =	sshrl.u32 s2, $0x1;
	[smem:$0x7F6] =	sst s22  }
0x28: {  	s24 =	simm.s32 $0x80;
	[smem:$0x7F7] =	sst s23;
	s2 =	ssub.s32 s2, s28  }
0x29: {  	s25 =	simm.s32 $0x5480;
	[smem:$0x7F8] =	sst s24;
	s6 =	smax.u32 s2, $0x1  }
0x2a: {  	s26 =	simm.s32 $0xA880;
	[smem:$0x7F9] =	sst s25;
	p1 =	sne.s32 s6, $0x1  }
.Ltmp0:
0x2b: {  	s29 =	simm.s32 $0xFC80;
	[smem:$0x7FA] =	sst s26;
	(pc) =	sbr.rel @!p1 .LBB2_3-.Ltmp0, $4  }
0x2c: {  	s30 =	simm.s32 $0x15080;
	[smem:$0x7FB] =	sst s29  }
0x2d: {  	s31 =	simm.s32 $0x1A480;
	[smem:$0x7FC] =	sst s30  }
0x2e: {  	p0 =	por $0x0, $0x0;
	[smem:$0x7FD] =	sst s31  }
0x2f: {  	s2 =	simm.s32 $0x1;
	s5 =	sadd.s32 $0xFFFFFFFF, s6;
	s6 =	rddreg [dreg:$0x4]  }
0x30: {  	s7 =	sld [smem:$0x7F8]  }
0x31: {  	[tilespmem:s3], [sflag:$0x1] =	stream.linear.gather [hbm4b:s6+s3], $0x20, $0x38;
	[tilespmem:$0x1BC80] =	vst v63  }
0x32: {  	s31 =	sld [smem:$0x7F9]  }
0x33: {  	[tilespmem:s7], [sflag:$0x1] =	stream.linear.gather [hbm4b:s4+s3], $0x5400, $0x38;
	[tilespmem:$0x1BC80] =	vst v63  }
0x34: {  	s8 =	sld [smem:$0x7FA]  }
0x35: {  	[tilespmem:s31], [sflag:$0x1] =	stream.linear.gather [hbm4b:s4+s3], $0x5400, $0x38;
	[tilespmem:$0x1BC80] =	vst v63  }
0x36: {  	s9 =	sld [smem:$0x7FB]  }
0x37: {  	[tilespmem:s8], [sflag:$0x1] =	stream.linear.gather [hbm4b:s4+s3], $0x5400, $0x38;
	[tilespmem:$0x1BC80] =	vst v63  }
0x38: {  	s10 =	sld [smem:$0x7FC]  }
0x39: {  	[tilespmem:s9], [sflag:$0x1] =	stream.linear.gather [hbm4b:s4+s3], $0x5400, $0x38;
	[tilespmem:$0x1BC80] =	vst v63  }
0x3a: {  	s11 =	sld [smem:$0x7FD]  }
0x3b: {  	[tilespmem:s10], [sflag:$0x1] =	stream.linear.gather [hbm4b:s4+s3], $0x5400, $0x38;
	[tilespmem:$0x1BC80] =	vst v63  }
0x3c: {  	_ = 	snop  }
0x3d: {  	[tilespmem:s11], [sflag:$0x1] =	stream.linear.gather [hbm4b:s4+s3], $0x1800, $0x38;
	[tilespmem:$0x1BC80] =	vst v63  }
0x3e: {  	_ =	swait.ge [sflag:s2], $0x20  }
0x3f: {  	[sflag:s2] =	ssyncset.done $0x0  }
0x40: {  	[sflag:s2] =	ssyncadd.s32 $0xFFFFFFE0  }
0x41: {  	_ =	swait.ge [sflag:s2], $0x5400  }
0x42: {  	[sflag:s2] =	ssyncset.done $0x0  }
0x43: {  	[sflag:s2] =	ssyncadd.s32 $0xFFFFAC00  }
0x44: {  	_ =	swait.ge [sflag:s2], $0x5400  }
0x45: {  	[sflag:s2] =	ssyncset.done $0x0  }
0x46: {  	[sflag:s2] =	ssyncadd.s32 $0xFFFFAC00  }
0x47: {  	_ =	swait.ge [sflag:s2], $0x5400  }
0x48: {  	[sflag:s2] =	ssyncset.done $0x0  }
0x49: {  	[sflag:s2] =	ssyncadd.s32 $0xFFFFAC00  }
0x4a: {  	_ =	swait.ge [sflag:s2], $0x5400  }
0x4b: {  	[sflag:s2] =	ssyncset.done $0x0  }
0x4c: {  	[sflag:s2] =	ssyncadd.s32 $0xFFFFAC00  }
0x4d: {  	_ =	swait.ge [sflag:s2], $0x5400  }
0x4e: {  	[sflag:s2] =	ssyncset.done $0x0  }
0x4f: {  	[sflag:s2] =	ssyncadd.s32 $0xFFFFAC00  }
0x50: {  	_ =	swait.ge [sflag:s2], $0x1800  }
0x51: {  	[sflag:s2] =	ssyncset.done $0x0  }
0x52: {  	[sflag:s2] =	ssyncadd.s32 $0xFFFFE800  }
0x53: {  	v0 =	vld [tilespmem:$0x0];
	_ =	sdelay $0x4  }
0x54: {  	v0 =	vshll.u32 v0, $0x9  }
0x55: {  	v0 =	vshra.s32 v0, $0x2  }
0x56: {  	v0 =	vadd.s32 $0x80, v0  }
0x57: {  	(v2sf) =	vpush v0, $0x0;
	_ =	sdelay $0x1  }
0x58: {  	(v2sf) =	vpush v0, $0x1;
	_ =	sdelay $0x1  }
0x59: {  	(v2sf) =	vpush v0, $0x2;
	_ =	sdelay $0x1  }
0x5a: {  	(v2sf) =	vpush v0, $0x3;
	_ =	sdelay $0x1  }
0x5b: {  	(v2sf) =	vpush v0, $0x4;
	_ =	sdelay $0x1  }
0x5c: {  	(v2sf) =	vpush v0, $0x5;
	_ =	sdelay $0x1  }
0x5d: {  	(v2sf) =	vpush v0, $0x6;
	_ =	sdelay $0x1  }
0x5e: {  	(v2sf) =	vpush v0, $0x7  }
0x5f: {  	s12 =	rddreg [dreg:$0x5];
	s8 =	spop (v2sf)  }
0x60: {  	(v2sf) =	vpush v0, $0x8;
	[hbm4b:s12+s3] =	stream.linear.scatter [tilespmem:s8], [sflag:$0x1], $0x16800, $0x38;
	[tilespmem:$0x1BC80] =	vst v63  }
0x61: {  	s13 =	rddreg [dreg:$0x6];
	s15 =	spop (v2sf)  }
0x62: {  	(v2sf) =	vpush v0, $0x9;
	[hbm4b:s13+s3] =	stream.linear.scatter [tilespmem:s15], [sflag:$0x1], $0x16800, $0x38;
	[tilespmem:$0x1BC80] =	vst v63  }
0x63: {  	s14 =	rddreg [dreg:$0x7];
	s17 =	spop (v2sf)  }
0x64: {  	(v2sf) =	vpush v0, $0xA;
	[hbm4b:s14+s3] =	stream.linear.scatter [tilespmem:s17], [sflag:$0x1], $0x16800, $0x38;
	[tilespmem:$0x1BC80] =	vst v63  }
0x65: {  	s16 =	rddreg [dreg:$0x8];
	s19 =	spop (v2sf)  }
0x66: {  	(v2sf) =	vpush v0, $0xB;
	[hbm4b:s16+s3] =	stream.linear.scatter [tilespmem:s19], [sflag:$0x1], $0x16800, $0x38;
	[tilespmem:$0x1BC80] =	vst v63  }
0x67: {  	s18 =	rddreg [dreg:$0x9];
	s21 =	spop (v2sf)  }
0x68: {  	(v2sf) =	vpush v0, $0xC;
	[hbm4b:s18+s3] =	stream.linear.scatter [tilespmem:s21], [sflag:$0x1], $0x16800, $0x38;
	[tilespmem:$0x1BC80] =	vst v63  }
0x69: {  	s20 =	rddreg [dreg:$0xa];
	s23 =	spop (v2sf)  }
0x6a: {  	(v2sf) =	vpush v0, $0xD;
	[hbm4b:s20+s3] =	stream.linear.scatter [tilespmem:s23], [sflag:$0x1], $0x16800, $0x38;
	[tilespmem:$0x1BC80] =	vst v63  }
0x6b: {  	s22 =	rddreg [dreg:$0xb];
	s25 =	spop (v2sf)  }
0x6c: {  	(v2sf) =	vpush v0, $0xE;
	[hbm4b:s22+s3] =	stream.linear.scatter [tilespmem:s25], [sflag:$0x1], $0x16800, $0x38;
	[tilespmem:$0x1BC80] =	vst v63  }
0x6d: {  	s24 =	rddreg [dreg:$0xc];
	s28 =	spop (v2sf)  }
0x6e: {  	(v2sf) =	vpush v0, $0xF;
	[hbm4b:s24+s3] =	stream.linear.scatter [tilespmem:s28], [sflag:$0x1], $0x16800, $0x38;
	[tilespmem:$0x1BC80] =	vst v63  }
0x6f: {  	s26 =	rddreg [dreg:$0xd];
	s30 =	spop (v2sf)  }
0x70: {  	[hbm4b:s26+s3] =	stream.linear.scatter [tilespmem:s30], [sflag:$0x1], $0x16800, $0x38;
	[tilespmem:$0x1BC80] =	vst v63  }
0x71: {  	s29 =	rddreg [dreg:$0xe];
	s9 =	spop (v2sf)  }
0x72: {  	[hbm4b:s29+s3] =	stream.linear.scatter [tilespmem:s9], [sflag:$0x1], $0x16800, $0x38;
	[tilespmem:$0x1BC80] =	vst v63  }
0x73: {  	s31 =	rddreg [dreg:$0xf];
	s11 =	spop (v2sf)  }
0x74: {  	[hbm4b:s31+s3] =	stream.linear.scatter [tilespmem:s11], [sflag:$0x1], $0x16800, $0x38;
	[tilespmem:$0x1BC80] =	vst v63  }
0x75: {  	s10 =	rddreg [dreg:$0x10];
	s13 =	spop (v2sf)  }
0x76: {  	[hbm4b:s10+s3] =	stream.linear.scatter [tilespmem:s13], [sflag:$0x1], $0x16800, $0x38;
	[tilespmem:$0x1BC80] =	vst v63  }
0x77: {  	s12 =	rddreg [dreg:$0x11];
	s15 =	spop (v2sf)  }
0x78: {  	[hbm4b:s12+s3] =	stream.linear.scatter [tilespmem:s15], [sflag:$0x1], $0x16800, $0x38;
	[tilespmem:$0x1BC80] =	vst v63  }
0x79: {  	s14 =	rddreg [dreg:$0x12];
	s17 =	spop (v2sf)  }
0x7a: {  	[hbm4b:s14+s3] =	stream.linear.scatter [tilespmem:s17], [sflag:$0x1], $0x16800, $0x38;
	[tilespmem:$0x1BC80] =	vst v63  }
0x7b: {  	s16 =	rddreg [dreg:$0x13];
	s19 =	spop (v2sf)  }
0x7c: {  	[hbm4b:s16+s3] =	stream.linear.scatter [tilespmem:s19], [sflag:$0x1], $0x16800, $0x38;
	[tilespmem:$0x1BC80] =	vst v63  }
0x7d: {  	s18 =	rddreg [dreg:$0x14];
	s20 =	spop (v2sf)  }
0x7e: {  	[hbm4b:s18+s3] =	stream.linear.scatter [tilespmem:s20], [sflag:$0x1], $0x16800, $0x38;
	[tilespmem:$0x1BC80] =	vst v63  }
0x7f: {  	v63 =	vld [tilespmem:$0x10];
	_ =	sdelay $0x4  }
0x80: {  	v0 =	vshll.u32 v63, $0x9  }
0x81: {  	v0 =	vshra.s32 v0, $0x2  }
0x82: {  	v0 =	vadd.s32 $0x80, v0  }
0x83: {  	(v2sf) =	vpush v0, $0x0;
	_ =	sdelay $0x1  }
0x84: {  	(v2sf) =	vpush v0, $0x1;
	_ =	sdelay $0x1  }
0x85: {  	(v2sf) =	vpush v0, $0x2;
	_ =	sdelay $0x1  }
0x86: {  	(v2sf) =	vpush v0, $0x3;
	_ =	sdelay $0x1  }
0x87: {  	(v2sf) =	vpush v0, $0x4;
	_ =	sdelay $0x1  }
0x88: {  	(v2sf) =	vpush v0, $0x5;
	_ =	sdelay $0x1  }
0x89: {  	(v2sf) =	vpush v0, $0x6;
	_ =	sdelay $0x1  }
0x8a: {  	s21 =	rddreg [dreg:$0x15];
	(v2sf) =	vpush v0, $0x7  }
0x8b: {  	s22 =	rddreg [dreg:$0x16];
	s23 =	spop (v2sf)  }
0x8c: {  	(v2sf) =	vpush v0, $0x8;
	[hbm4b:s21+s3] =	stream.linear.scatter [tilespmem:s23], [sflag:$0x1], $0x16800, $0x38;
	[tilespmem:$0x1BC80] =	vst v63  }
0x8d: {  	s24 =	rddreg [dreg:$0x17];
	s25 =	spop (v2sf)  }
0x8e: {  	(v2sf) =	vpush v0, $0x9;
	[hbm4b:s22+s3] =	stream.linear.scatter [tilespmem:s25], [sflag:$0x1], $0x16800, $0x38;
	[tilespmem:$0x1BC80] =	vst v63  }
0x8f: {  	s26 =	rddreg [dreg:$0x18];
	s28 =	spop (v2sf)  }
0x90: {  	(v2sf) =	vpush v0, $0xA;
	[hbm4b:s24+s3] =	stream.linear.scatter [tilespmem:s28], [sflag:$0x1], $0x16800, $0x38;
	[tilespmem:$0x1BC80] =	vst v63  }
0x91: {  	s29 =	rddreg [dreg:$0x19];
	s30 =	spop (v2sf)  }
0x92: {  	(v2sf) =	vpush v0, $0xB;
	[hbm4b:s26+s3] =	stream.linear.scatter [tilespmem:s30], [sflag:$0x1], $0x16800, $0x38;
	[tilespmem:$0x1BC80] =	vst v63  }
0x93: {  	s31 =	rddreg [dreg:$0x1a];
	s9 =	spop (v2sf)  }
0x94: {  	(v2sf) =	vpush v0, $0xC;
	[hbm4b:s29+s3] =	stream.linear.scatter [tilespmem:s9], [sflag:$0x1], $0x16800, $0x38;
	[tilespmem:$0x1BC80] =	vst v63  }
0x95: {  	s10 =	rddreg [dreg:$0x1b];
	s11 =	spop (v2sf)  }
0x96: {  	(v2sf) =	vpush v0, $0xD;
	[hbm4b:s31+s3] =	stream.linear.scatter [tilespmem:s11], [sflag:$0x1], $0x16800, $0x38;
	[tilespmem:$0x1BC80] =	vst v63  }
0x97: {  	s12 =	rddreg [dreg:$0x1c];
	s13 =	spop (v2sf)  }
0x98: {  	(v2sf) =	vpush v0, $0xE;
	[hbm4b:s10+s3] =	stream.linear.scatter [tilespmem:s13], [sflag:$0x1], $0x16800, $0x38;
	[tilespmem:$0x1BC80] =	vst v63  }
0x99: {  	s14 =	rddreg [dreg:$0x1d];
	s15 =	spop (v2sf)  }
0x9a: {  	(v2sf) =	vpush v0, $0xF;
	[hbm4b:s12+s3] =	stream.linear.scatter [tilespmem:s15], [sflag:$0x1], $0x16800, $0x38;
	[tilespmem:$0x1BC80] =	vst v63  }
0x9b: {  	s16 =	rddreg [dreg:$0x1e];
	s17 =	spop (v2sf)  }
0x9c: {  	[hbm4b:s14+s3] =	stream.linear.scatter [tilespmem:s17], [sflag:$0x1], $0x16800, $0x38;
	[tilespmem:$0x1BC80] =	vst v63  }
0x9d: {  	s18 =	rddreg [dreg:$0x1f];
	s19 =	spop (v2sf)  }
0x9e: {  	[hbm4b:s16+s3] =	stream.linear.scatter [tilespmem:s19], [sflag:$0x1], $0x16800, $0x38;
	[tilespmem:$0x1BC80] =	vst v63  }
0x9f: {  	s20 =	sld [smem:$0x7F3];
	s21 =	spop (v2sf)  }
0xa0: {  	[hbm4b:s18+s3] =	stream.linear.scatter [tilespmem:s21], [sflag:$0x1], $0x16800, $0x38;
	[tilespmem:$0x1BC80] =	vst v63  }
0xa1: {  	s22 =	sld [smem:$0x7F4];
	s23 =	spop (v2sf)  }
0xa2: {  	[hbm4b:s20+s3] =	stream.linear.scatter [tilespmem:s23], [sflag:$0x1], $0x16800, $0x38;
	[tilespmem:$0x1BC80] =	vst v63  }
0xa3: {  	s24 =	sld [smem:$0x7F5];
	s25 =	spop (v2sf)  }
0xa4: {  	[hbm4b:s22+s3] =	stream.linear.scatter [tilespmem:s25], [sflag:$0x1], $0x16800, $0x38;
	[tilespmem:$0x1BC80] =	vst v63  }
0xa5: {  	s26 =	sld [smem:$0x7F6];
	s28 =	spop (v2sf)  }
0xa6: {  	[hbm4b:s24+s3] =	stream.linear.scatter [tilespmem:s28], [sflag:$0x1], $0x16800, $0x38;
	[tilespmem:$0x1BC80] =	vst v63  }
0xa7: {  	s29 =	sld [smem:$0x7F7];
	s30 =	spop (v2sf)  }
0xa8: {  	[hbm4b:s26+s3] =	stream.linear.scatter [tilespmem:s30], [sflag:$0x1], $0x16800, $0x38;
	[tilespmem:$0x1BC80] =	vst v63  }
0xa9: {  	s31 =	spop (v2sf)  }
0xaa: {  	[hbm4b:s29+s3] =	stream.linear.scatter [tilespmem:s31], [sflag:$0x1], $0x16800, $0x38;
	[tilespmem:$0x1BC80] =	vst v63  }
0xab: {  	_ =	swait.ge [sflag:s2], $0x16800  }
0xac: {  	[sflag:s2] =	ssyncset.done $0x0  }
0xad: {  	[sflag:s2] =	ssyncadd.s32 $0xFFFE9800  }
0xae: {  	_ =	swait.ge [sflag:s2], $0x16800  }
0xaf: {  	[sflag:s2] =	ssyncset.done $0x0  }
0xb0: {  	[sflag:s2] =	ssyncadd.s32 $0xFFFE9800  }
0xb1: {  	_ =	swait.ge [sflag:s2], $0x16800  }
0xb2: {  	[sflag:s2] =	ssyncset.done $0x0  }
0xb3: {  	[sflag:s2] =	ssyncadd.s32 $0xFFFE9800  }
0xb4: {  	_ =	swait.ge [sflag:s2], $0x16800  }
0xb5: {  	[sflag:s2] =	ssyncset.done $0x0  }
0xb6: {  	[sflag:s2] =	ssyncadd.s32 $0xFFFE9800  }
0xb7: {  	_ =	swait.ge [sflag:s2], $0x16800  }
0xb8: {  	[sflag:s2] =	ssyncset.done $0x0  }
0xb9: {  	[sflag:s2] =	ssyncadd.s32 $0xFFFE9800  }
0xba: {  	_ =	swait.ge [sflag:s2], $0x16800  }
0xbb: {  	[sflag:s2] =	ssyncset.done $0x0  }
0xbc: {  	[sflag:s2] =	ssyncadd.s32 $0xFFFE9800  }
0xbd: {  	_ =	swait.ge [sflag:s2], $0x16800  }
0xbe: {  	[sflag:s2] =	ssyncset.done $0x0  }
0xbf: {  	[sflag:s2] =	ssyncadd.s32 $0xFFFE9800  }
0xc0: {  	_ =	swait.ge [sflag:s2], $0x16800  }
0xc1: {  	[sflag:s2] =	ssyncset.done $0x0  }
0xc2: {  	[sflag:s2] =	ssyncadd.s32 $0xFFFE9800  }
0xc3: {  	_ =	swait.ge [sflag:s2], $0x16800  }
0xc4: {  	[sflag:s2] =	ssyncset.done $0x0  }
0xc5: {  	[sflag:s2] =	ssyncadd.s32 $0xFFFE9800  }
0xc6: {  	_ =	swait.ge [sflag:s2], $0x16800  }
0xc7: {  	[sflag:s2] =	ssyncset.done $0x0  }
0xc8: {  	[sflag:s2] =	ssyncadd.s32 $0xFFFE9800  }
0xc9: {  	_ =	swait.ge [sflag:s2], $0x16800  }
0xca: {  	[sflag:s2] =	ssyncset.done $0x0  }
0xcb: {  	[sflag:s2] =	ssyncadd.s32 $0xFFFE9800  }
0xcc: {  	_ =	swait.ge [sflag:s2], $0x16800  }
0xcd: {  	[sflag:s2] =	ssyncset.done $0x0  }
0xce: {  	[sflag:s2] =	ssyncadd.s32 $0xFFFE9800  }
0xcf: {  	_ =	swait.ge [sflag:s2], $0x16800  }
0xd0: {  	[sflag:s2] =	ssyncset.done $0x0  }
0xd1: {  	[sflag:s2] =	ssyncadd.s32 $0xFFFE9800  }
0xd2: {  	_ =	swait.ge [sflag:s2], $0x16800  }
0xd3: {  	[sflag:s2] =	ssyncset.done $0x0  }
0xd4: {  	[sflag:s2] =	ssyncadd.s32 $0xFFFE9800  }
0xd5: {  	_ =	swait.ge [sflag:s2], $0x16800  }
0xd6: {  	[sflag:s2] =	ssyncset.done $0x0  }
0xd7: {  	[sflag:s2] =	ssyncadd.s32 $0xFFFE9800  }
0xd8: {  	_ =	swait.ge [sflag:s2], $0x16800  }
0xd9: {  	[sflag:s2] =	ssyncset.done $0x0  }
0xda: {  	[sflag:s2] =	ssyncadd.s32 $0xFFFE9800  }
0xdb: {  	_ =	swait.ge [sflag:s2], $0x16800  }
0xdc: {  	[sflag:s2] =	ssyncset.done $0x0  }
0xdd: {  	[sflag:s2] =	ssyncadd.s32 $0xFFFE9800  }
0xde: {  	_ =	swait.ge [sflag:s2], $0x16800  }
0xdf: {  	[sflag:s2] =	ssyncset.done $0x0  }
0xe0: {  	[sflag:s2] =	ssyncadd.s32 $0xFFFE9800  }
0xe1: {  	_ =	swait.ge [sflag:s2], $0x16800  }
0xe2: {  	[sflag:s2] =	ssyncset.done $0x0  }
0xe3: {  	[sflag:s2] =	ssyncadd.s32 $0xFFFE9800  }
0xe4: {  	_ =	swait.ge [sflag:s2], $0x16800  }
0xe5: {  	[sflag:s2] =	ssyncset.done $0x0  }
0xe6: {  	[sflag:s2] =	ssyncadd.s32 $0xFFFE9800  }
0xe7: {  	_ =	swait.ge [sflag:s2], $0x16800  }
0xe8: {  	[sflag:s2] =	ssyncset.done $0x0  }
0xe9: {  	[sflag:s2] =	ssyncadd.s32 $0xFFFE9800  }
0xea: {  	_ =	swait.ge [sflag:s2], $0x16800  }
0xeb: {  	[sflag:s2] =	ssyncset.done $0x0  }
0xec: {  	[sflag:s2] =	ssyncadd.s32 $0xFFFE9800  }
0xed: {  	_ =	swait.ge [sflag:s2], $0x16800  }
0xee: {  	[sflag:s2] =	ssyncset.done $0x0  }
0xef: {  	[sflag:s2] =	ssyncadd.s32 $0xFFFE9800  }
0xf0: {  	_ =	swait.ge [sflag:s2], $0x16800  }
0xf1: {  	[sflag:s2] =	ssyncset.done $0x0  }
0xf2: {  	[sflag:s2] =	ssyncadd.s32 $0xFFFE9800  }
0xf3: {  	_ =	swait.ge [sflag:s2], $0x16800  }
0xf4: {  	[sflag:s2] =	ssyncset.done $0x0  }
0xf5: {  	[sflag:s2] =	ssyncadd.s32 $0xFFFE9800  }
0xf6: {  	_ =	swait.ge [sflag:s2], $0x16800  }
0xf7: {  	[sflag:s2] =	ssyncset.done $0x0  }
0xf8: {  	[sflag:s2] =	ssyncadd.s32 $0xFFFE9800  }
0xf9: {  	_ =	swait.ge [sflag:s2], $0x16800  }
0xfa: {  	[sflag:s2] =	ssyncset.done $0x0  }
0xfb: {  	[sflag:s2] =	ssyncadd.s32 $0xFFFE9800  }
0xfc: {  	_ =	swait.ge [sflag:s2], $0x16800  }
0xfd: {  	[sflag:s2] =	ssyncset.done $0x0  }
0xfe: {  	[sflag:s2] =	ssyncadd.s32 $0xFFFE9800  }
0xff: {  	_ =	swait.ge [sflag:s2], $0x16800  }
0x100: {  	[sflag:s2] =	ssyncset.done $0x0  }
0x101: {  	[sflag:s2] =	ssyncadd.s32 $0xFFFE9800  }
0x102: {  	_ =	swait.ge [sflag:s2], $0x16800  }
0x103: {  	[sflag:s2] =	ssyncset.done $0x0  }
0x104: {  	p1 =	sne.s32 s5, $0x1;
	[sflag:s2] =	ssyncadd.s32 $0xFFFE9800  }
.Ltmp1:
0x105: {  	_ =	swait.ge [sflag:s2], $0x16800;
	(pc) =	sbr.rel @!p1 .LBB2_3-.Ltmp1, $4  }
0x106: {  	[sflag:s2] =	ssyncset.done $0x0  }
0x107: {  	[sflag:s2] =	ssyncadd.s32 $0xFFFE9800  }
0x108: {  	s5 =	sadd.s32 $0xFFFFFFFF, s5;
	_ =	swait.ge [sflag:s2], $0x16800  }
0x109: {  	p0 =	por $0x1, $0x1;
	s6 =	rddreg [dreg:$0x4];
	[sflag:s2] =	ssyncset.done $0x0  }
.LBB2_2:
0x10a: {  	[sflag:s2] =	ssyncadd.s32 $0xFFFE9800;
	s7 =	sld [smem:$0x7F8]  }
0x10b: {  	[tilespmem:s3], [sflag:$0x1] =	stream.linear.gather [hbm4b:s6+s3], $0x20, $0x38;
	[tilespmem:$0x1BC80] =	vst v63  }
0x10c: {  	s31 =	sld [smem:$0x7F9]  }
0x10d: {  	[tilespmem:s7], [sflag:$0x1] =	stream.linear.gather [hbm4b:s4+s3], $0x5400, $0x38;
	[tilespmem:$0x1BC80] =	vst v63  }
0x10e: {  	s8 =	sld [smem:$0x7FA]  }
0x10f: {  	[tilespmem:s31], [sflag:$0x1] =	stream.linear.gather [hbm4b:s4+s3], $0x5400, $0x38;
	[tilespmem:$0x1BC80] =	vst v63  }
0x110: {  	s9 =	sld [smem:$0x7FB]  }
0x111: {  	[tilespmem:s8], [sflag:$0x1] =	stream.linear.gather [hbm4b:s4+s3], $0x5400, $0x38;
	[tilespmem:$0x1BC80] =	vst v63  }
0x112: {  	s10 =	sld [smem:$0x7FC]  }
0x113: {  	[tilespmem:s9], [sflag:$0x1] =	stream.linear.gather [hbm4b:s4+s3], $0x5400, $0x38;
	[tilespmem:$0x1BC80] =	vst v63  }
0x114: {  	s11 =	sld [smem:$0x7FD]  }
0x115: {  	[tilespmem:s10], [sflag:$0x1] =	stream.linear.gather [hbm4b:s4+s3], $0x5400, $0x38;
	[tilespmem:$0x1BC80] =	vst v63  }
0x116: {  	_ = 	snop  }
0x117: {  	[tilespmem:s11], [sflag:$0x1] =	stream.linear.gather [hbm4b:s4+s3], $0x1800, $0x38;
	[tilespmem:$0x1BC80] =	vst v63  }
0x118: {  	_ =	swait.ge [sflag:s2], $0x20  }
0x119: {  	[sflag:s2] =	ssyncset.done $0x0  }
0x11a: {  	[sflag:s2] =	ssyncadd.s32 $0xFFFFFFE0  }
0x11b: {  	_ =	swait.ge [sflag:s2], $0x5400  }
0x11c: {  	[sflag:s2] =	ssyncset.done $0x0  }
0x11d: {  	[sflag:s2] =	ssyncadd.s32 $0xFFFFAC00  }
0x11e: {  	_ =	swait.ge [sflag:s2], $0x5400  }
0x11f: {  	[sflag:s2] =	ssyncset.done $0x0  }
0x120: {  	[sflag:s2] =	ssyncadd.s32 $0xFFFFAC00  }
0x121: {  	_ =	swait.ge [sflag:s2], $0x5400  }
0x122: {  	[sflag:s2] =	ssyncset.done $0x0  }
0x123: {  	[sflag:s2] =	ssyncadd.s32 $0xFFFFAC00  }
0x124: {  	_ =	swait.ge [sflag:s2], $0x5400  }
0x125: {  	[sflag:s2] =	ssyncset.done $0x0  }
0x126: {  	[sflag:s2] =	ssyncadd.s32 $0xFFFFAC00  }
0x127: {  	_ =	swait.ge [sflag:s2], $0x5400  }
0x128: {  	[sflag:s2] =	ssyncset.done $0x0  }
0x129: {  	[sflag:s2] =	ssyncadd.s32 $0xFFFFAC00  }
0x12a: {  	_ =	swait.ge [sflag:s2], $0x1800  }
0x12b: {  	[sflag:s2] =	ssyncset.done $0x0  }
0x12c: {  	[sflag:s2] =	ssyncadd.s32 $0xFFFFE800  }
0x12d: {  	v0 =	vld [tilespmem:$0x0];
	_ =	sdelay $0x4  }
0x12e: {  	v0 =	vshll.u32 v0, $0x9  }
0x12f: {  	v0 =	vshra.s32 v0, $0x2  }
0x130: {  	v0 =	vadd.s32 $0x80, v0  }
0x131: {  	(v2sf) =	vpush v0, $0x0;
	_ =	sdelay $0x1  }
0x132: {  	(v2sf) =	vpush v0, $0x1;
	_ =	sdelay $0x1  }
0x133: {  	(v2sf) =	vpush v0, $0x2;
	_ =	sdelay $0x1  }
0x134: {  	(v2sf) =	vpush v0, $0x3;
	_ =	sdelay $0x1  }
0x135: {  	(v2sf) =	vpush v0, $0x4;
	_ =	sdelay $0x1  }
0x136: {  	(v2sf) =	vpush v0, $0x5;
	_ =	sdelay $0x1  }
0x137: {  	(v2sf) =	vpush v0, $0x6;
	_ =	sdelay $0x1  }
0x138: {  	(v2sf) =	vpush v0, $0x7  }
0x139: {  	s12 =	rddreg [dreg:$0x5];
	s8 =	spop (v2sf)  }
0x13a: {  	(v2sf) =	vpush v0, $0x8;
	[hbm4b:s12+s3] =	stream.linear.scatter [tilespmem:s8], [sflag:$0x1], $0x16800, $0x38;
	[tilespmem:$0x1BC80] =	vst v63  }
0x13b: {  	s13 =	rddreg [dreg:$0x6];
	s15 =	spop (v2sf)  }
0x13c: {  	(v2sf) =	vpush v0, $0x9;
	[hbm4b:s13+s3] =	stream.linear.scatter [tilespmem:s15], [sflag:$0x1], $0x16800, $0x38;
	[tilespmem:$0x1BC80] =	vst v63  }
0x13d: {  	s14 =	rddreg [dreg:$0x7];
	s17 =	spop (v2sf)  }
0x13e: {  	(v2sf) =	vpush v0, $0xA;
	[hbm4b:s14+s3] =	stream.linear.scatter [tilespmem:s17], [sflag:$0x1], $0x16800, $0x38;
	[tilespmem:$0x1BC80] =	vst v63  }
0x13f: {  	s16 =	rddreg [dreg:$0x8];
	s19 =	spop (v2sf)  }
0x140: {  	(v2sf) =	vpush v0, $0xB;
	[hbm4b:s16+s3] =	stream.linear.scatter [tilespmem:s19], [sflag:$0x1], $0x16800, $0x38;
	[tilespmem:$0x1BC80] =	vst v63  }
0x141: {  	s18 =	rddreg [dreg:$0x9];
	s21 =	spop (v2sf)  }
0x142: {  	(v2sf) =	vpush v0, $0xC;
	[hbm4b:s18+s3] =	stream.linear.scatter [tilespmem:s21], [sflag:$0x1], $0x16800, $0x38;
	[tilespmem:$0x1BC80] =	vst v63  }
0x143: {  	s20 =	rddreg [dreg:$0xa];
	s23 =	spop (v2sf)  }
0x144: {  	(v2sf) =	vpush v0, $0xD;
	[hbm4b:s20+s3] =	stream.linear.scatter [tilespmem:s23], [sflag:$0x1], $0x16800, $0x38;
	[tilespmem:$0x1BC80] =	vst v63  }
0x145: {  	s22 =	rddreg [dreg:$0xb];
	s25 =	spop (v2sf)  }
0x146: {  	(v2sf) =	vpush v0, $0xE;
	[hbm4b:s22+s3] =	stream.linear.scatter [tilespmem:s25], [sflag:$0x1], $0x16800, $0x38;
	[tilespmem:$0x1BC80] =	vst v63  }
0x147: {  	s24 =	rddreg [dreg:$0xc];
	s28 =	spop (v2sf)  }
0x148: {  	(v2sf) =	vpush v0, $0xF;
	[hbm4b:s24+s3] =	stream.linear.scatter [tilespmem:s28], [sflag:$0x1], $0x16800, $0x38;
	[tilespmem:$0x1BC80] =	vst v63  }
0x149: {  	s26 =	rddreg [dreg:$0xd];
	s30 =	spop (v2sf)  }
0x14a: {  	[hbm4b:s26+s3] =	stream.linear.scatter [tilespmem:s30], [sflag:$0x1], $0x16800, $0x38;
	[tilespmem:$0x1BC80] =	vst v63  }
0x14b: {  	s29 =	rddreg [dreg:$0xe];
	s9 =	spop (v2sf)  }
0x14c: {  	[hbm4b:s29+s3] =	stream.linear.scatter [tilespmem:s9], [sflag:$0x1], $0x16800, $0x38;
	[tilespmem:$0x1BC80] =	vst v63  }
0x14d: {  	s31 =	rddreg [dreg:$0xf];
	s11 =	spop (v2sf)  }
0x14e: {  	[hbm4b:s31+s3] =	stream.linear.scatter [tilespmem:s11], [sflag:$0x1], $0x16800, $0x38;
	[tilespmem:$0x1BC80] =	vst v63  }
0x14f: {  	s10 =	rddreg [dreg:$0x10];
	s13 =	spop (v2sf)  }
0x150: {  	[hbm4b:s10+s3] =	stream.linear.scatter [tilespmem:s13], [sflag:$0x1], $0x16800, $0x38;
	[tilespmem:$0x1BC80] =	vst v63  }
0x151: {  	s12 =	rddreg [dreg:$0x11];
	s15 =	spop (v2sf)  }
0x152: {  	[hbm4b:s12+s3] =	stream.linear.scatter [tilespmem:s15], [sflag:$0x1], $0x16800, $0x38;
	[tilespmem:$0x1BC80] =	vst v63  }
0x153: {  	s14 =	rddreg [dreg:$0x12];
	s17 =	spop (v2sf)  }
0x154: {  	[hbm4b:s14+s3] =	stream.linear.scatter [tilespmem:s17], [sflag:$0x1], $0x16800, $0x38;
	[tilespmem:$0x1BC80] =	vst v63  }
0x155: {  	s16 =	rddreg [dreg:$0x13];
	s19 =	spop (v2sf)  }
0x156: {  	[hbm4b:s16+s3] =	stream.linear.scatter [tilespmem:s19], [sflag:$0x1], $0x16800, $0x38;
	[tilespmem:$0x1BC80] =	vst v63  }
0x157: {  	s18 =	rddreg [dreg:$0x14];
	s20 =	spop (v2sf)  }
0x158: {  	[hbm4b:s18+s3] =	stream.linear.scatter [tilespmem:s20], [sflag:$0x1], $0x16800, $0x38;
	[tilespmem:$0x1BC80] =	vst v63  }
0x159: {  	v63 =	vld [tilespmem:$0x10];
	_ =	sdelay $0x4  }
0x15a: {  	v0 =	vshll.u32 v63, $0x9  }
0x15b: {  	v0 =	vshra.s32 v0, $0x2  }
0x15c: {  	v0 =	vadd.s32 $0x80, v0  }
0x15d: {  	(v2sf) =	vpush v0, $0x0;
	_ =	sdelay $0x1  }
0x15e: {  	(v2sf) =	vpush v0, $0x1;
	_ =	sdelay $0x1  }
0x15f: {  	(v2sf) =	vpush v0, $0x2;
	_ =	sdelay $0x1  }
0x160: {  	(v2sf) =	vpush v0, $0x3;
	_ =	sdelay $0x1  }
0x161: {  	(v2sf) =	vpush v0, $0x4;
	_ =	sdelay $0x1  }
0x162: {  	(v2sf) =	vpush v0, $0x5;
	_ =	sdelay $0x1  }
0x163: {  	(v2sf) =	vpush v0, $0x6;
	_ =	sdelay $0x1  }
0x164: {  	s21 =	rddreg [dreg:$0x15];
	(v2sf) =	vpush v0, $0x7  }
0x165: {  	s22 =	rddreg [dreg:$0x16];
	s23 =	spop (v2sf)  }
0x166: {  	(v2sf) =	vpush v0, $0x8;
	[hbm4b:s21+s3] =	stream.linear.scatter [tilespmem:s23], [sflag:$0x1], $0x16800, $0x38;
	[tilespmem:$0x1BC80] =	vst v63  }
0x167: {  	s24 =	rddreg [dreg:$0x17];
	s25 =	spop (v2sf)  }
0x168: {  	(v2sf) =	vpush v0, $0x9;
	[hbm4b:s22+s3] =	stream.linear.scatter [tilespmem:s25], [sflag:$0x1], $0x16800, $0x38;
	[tilespmem:$0x1BC80] =	vst v63  }
0x169: {  	s26 =	rddreg [dreg:$0x18];
	s28 =	spop (v2sf)  }
0x16a: {  	(v2sf) =	vpush v0, $0xA;
	[hbm4b:s24+s3] =	stream.linear.scatter [tilespmem:s28], [sflag:$0x1], $0x16800, $0x38;
	[tilespmem:$0x1BC80] =	vst v63  }
0x16b: {  	s29 =	rddreg [dreg:$0x19];
	s30 =	spop (v2sf)  }
0x16c: {  	(v2sf) =	vpush v0, $0xB;
	[hbm4b:s26+s3] =	stream.linear.scatter [tilespmem:s30], [sflag:$0x1], $0x16800, $0x38;
	[tilespmem:$0x1BC80] =	vst v63  }
0x16d: {  	s31 =	rddreg [dreg:$0x1a];
	s9 =	spop (v2sf)  }
0x16e: {  	(v2sf) =	vpush v0, $0xC;
	[hbm4b:s29+s3] =	stream.linear.scatter [tilespmem:s9], [sflag:$0x1], $0x16800, $0x38;
	[tilespmem:$0x1BC80] =	vst v63  }
0x16f: {  	s10 =	rddreg [dreg:$0x1b];
	s11 =	spop (v2sf)  }
0x170: {  	(v2sf) =	vpush v0, $0xD;
	[hbm4b:s31+s3] =	stream.linear.scatter [tilespmem:s11], [sflag:$0x1], $0x16800, $0x38;
	[tilespmem:$0x1BC80] =	vst v63  }
0x171: {  	s12 =	rddreg [dreg:$0x1c];
	s13 =	spop (v2sf)  }
0x172: {  	(v2sf) =	vpush v0, $0xE;
	[hbm4b:s10+s3] =	stream.linear.scatter [tilespmem:s13], [sflag:$0x1], $0x16800, $0x38;
	[tilespmem:$0x1BC80] =	vst v63  }
0x173: {  	s14 =	rddreg [dreg:$0x1d];
	s15 =	spop (v2sf)  }
0x174: {  	(v2sf) =	vpush v0, $0xF;
	[hbm4b:s12+s3] =	stream.linear.scatter [tilespmem:s15], [sflag:$0x1], $0x16800, $0x38;
	[tilespmem:$0x1BC80] =	vst v63  }
0x175: {  	s16 =	rddreg [dreg:$0x1e];
	s17 =	spop (v2sf)  }
0x176: {  	[hbm4b:s14+s3] =	stream.linear.scatter [tilespmem:s17], [sflag:$0x1], $0x16800, $0x38;
	[tilespmem:$0x1BC80] =	vst v63  }
0x177: {  	s18 =	rddreg [dreg:$0x1f];
	s19 =	spop (v2sf)  }
0x178: {  	[hbm4b:s16+s3] =	stream.linear.scatter [tilespmem:s19], [sflag:$0x1], $0x16800, $0x38;
	[tilespmem:$0x1BC80] =	vst v63  }
0x179: {  	s20 =	sld [smem:$0x7F3];
	s21 =	spop (v2sf)  }
0x17a: {  	[hbm4b:s18+s3] =	stream.linear.scatter [tilespmem:s21], [sflag:$0x1], $0x16800, $0x38;
	[tilespmem:$0x1BC80] =	vst v63  }
0x17b: {  	s22 =	sld [smem:$0x7F4];
	s23 =	spop (v2sf)  }
0x17c: {  	[hbm4b:s20+s3] =	stream.linear.scatter [tilespmem:s23], [sflag:$0x1], $0x16800, $0x38;
	[tilespmem:$0x1BC80] =	vst v63  }
0x17d: {  	s24 =	sld [smem:$0x7F5];
	s25 =	spop (v2sf)  }
0x17e: {  	[hbm4b:s22+s3] =	stream.linear.scatter [tilespmem:s25], [sflag:$0x1], $0x16800, $0x38;
	[tilespmem:$0x1BC80] =	vst v63  }
0x17f: {  	s26 =	sld [smem:$0x7F6];
	s28 =	spop (v2sf)  }
0x180: {  	[hbm4b:s24+s3] =	stream.linear.scatter [tilespmem:s28], [sflag:$0x1], $0x16800, $0x38;
	[tilespmem:$0x1BC80] =	vst v63  }
0x181: {  	s29 =	sld [smem:$0x7F7];
	s30 =	spop (v2sf)  }
0x182: {  	[hbm4b:s26+s3] =	stream.linear.scatter [tilespmem:s30], [sflag:$0x1], $0x16800, $0x38;
	[tilespmem:$0x1BC80] =	vst v63  }
0x183: {  	s31 =	spop (v2sf)  }
0x184: {  	[hbm4b:s29+s3] =	stream.linear.scatter [tilespmem:s31], [sflag:$0x1], $0x16800, $0x38;
	[tilespmem:$0x1BC80] =	vst v63  }
0x185: {  	_ =	swait.ge [sflag:s2], $0x16800  }
0x186: {  	[sflag:s2] =	ssyncset.done $0x0  }
0x187: {  	[sflag:s2] =	ssyncadd.s32 $0xFFFE9800  }
0x188: {  	_ =	swait.ge [sflag:s2], $0x16800  }
0x189: {  	[sflag:s2] =	ssyncset.done $0x0  }
0x18a: {  	[sflag:s2] =	ssyncadd.s32 $0xFFFE9800  }
0x18b: {  	_ =	swait.ge [sflag:s2], $0x16800  }
0x18c: {  	[sflag:s2] =	ssyncset.done $0x0  }
0x18d: {  	[sflag:s2] =	ssyncadd.s32 $0xFFFE9800  }
0x18e: {  	_ =	swait.ge [sflag:s2], $0x16800  }
0x18f: {  	[sflag:s2] =	ssyncset.done $0x0  }
0x190: {  	[sflag:s2] =	ssyncadd.s32 $0xFFFE9800  }
0x191: {  	_ =	swait.ge [sflag:s2], $0x16800  }
0x192: {  	[sflag:s2] =	ssyncset.done $0x0  }
0x193: {  	[sflag:s2] =	ssyncadd.s32 $0xFFFE9800  }
0x194: {  	_ =	swait.ge [sflag:s2], $0x16800  }
0x195: {  	[sflag:s2] =	ssyncset.done $0x0  }
0x196: {  	[sflag:s2] =	ssyncadd.s32 $0xFFFE9800  }
0x197: {  	_ =	swait.ge [sflag:s2], $0x16800  }
0x198: {  	[sflag:s2] =	ssyncset.done $0x0  }
0x199: {  	[sflag:s2] =	ssyncadd.s32 $0xFFFE9800  }
0x19a: {  	_ =	swait.ge [sflag:s2], $0x16800  }
0x19b: {  	[sflag:s2] =	ssyncset.done $0x0  }
0x19c: {  	[sflag:s2] =	ssyncadd.s32 $0xFFFE9800  }
0x19d: {  	_ =	swait.ge [sflag:s2], $0x16800  }
0x19e: {  	[sflag:s2] =	ssyncset.done $0x0  }
0x19f: {  	[sflag:s2] =	ssyncadd.s32 $0xFFFE9800  }
0x1a0: {  	_ =	swait.ge [sflag:s2], $0x16800  }
0x1a1: {  	[sflag:s2] =	ssyncset.done $0x0  }
0x1a2: {  	[sflag:s2] =	ssyncadd.s32 $0xFFFE9800  }
0x1a3: {  	_ =	swait.ge [sflag:s2], $0x16800  }
0x1a4: {  	[sflag:s2] =	ssyncset.done $0x0  }
0x1a5: {  	[sflag:s2] =	ssyncadd.s32 $0xFFFE9800  }
0x1a6: {  	_ =	swait.ge [sflag:s2], $0x16800  }
0x1a7: {  	[sflag:s2] =	ssyncset.done $0x0  }
0x1a8: {  	[sflag:s2] =	ssyncadd.s32 $0xFFFE9800  }
0x1a9: {  	_ =	swait.ge [sflag:s2], $0x16800  }
0x1aa: {  	[sflag:s2] =	ssyncset.done $0x0  }
0x1ab: {  	[sflag:s2] =	ssyncadd.s32 $0xFFFE9800  }
0x1ac: {  	_ =	swait.ge [sflag:s2], $0x16800  }
0x1ad: {  	[sflag:s2] =	ssyncset.done $0x0  }
0x1ae: {  	[sflag:s2] =	ssyncadd.s32 $0xFFFE9800  }
0x1af: {  	_ =	swait.ge [sflag:s2], $0x16800  }
0x1b0: {  	[sflag:s2] =	ssyncset.done $0x0  }
0x1b1: {  	[sflag:s2] =	ssyncadd.s32 $0xFFFE9800  }
0x1b2: {  	_ =	swait.ge [sflag:s2], $0x16800  }
0x1b3: {  	[sflag:s2] =	ssyncset.done $0x0  }
0x1b4: {  	[sflag:s2] =	ssyncadd.s32 $0xFFFE9800  }
0x1b5: {  	_ =	swait.ge [sflag:s2], $0x16800  }
0x1b6: {  	[sflag:s2] =	ssyncset.done $0x0  }
0x1b7: {  	[sflag:s2] =	ssyncadd.s32 $0xFFFE9800  }
0x1b8: {  	_ =	swait.ge [sflag:s2], $0x16800  }
0x1b9: {  	[sflag:s2] =	ssyncset.done $0x0  }
0x1ba: {  	[sflag:s2] =	ssyncadd.s32 $0xFFFE9800  }
0x1bb: {  	_ =	swait.ge [sflag:s2], $0x16800  }
0x1bc: {  	[sflag:s2] =	ssyncset.done $0x0  }
0x1bd: {  	[sflag:s2] =	ssyncadd.s32 $0xFFFE9800  }
0x1be: {  	_ =	swait.ge [sflag:s2], $0x16800  }
0x1bf: {  	[sflag:s2] =	ssyncset.done $0x0  }
0x1c0: {  	[sflag:s2] =	ssyncadd.s32 $0xFFFE9800  }
0x1c1: {  	_ =	swait.ge [sflag:s2], $0x16800  }
0x1c2: {  	[sflag:s2] =	ssyncset.done $0x0  }
0x1c3: {  	[sflag:s2] =	ssyncadd.s32 $0xFFFE9800  }
0x1c4: {  	_ =	swait.ge [sflag:s2], $0x16800  }
0x1c5: {  	[sflag:s2] =	ssyncset.done $0x0  }
0x1c6: {  	[sflag:s2] =	ssyncadd.s32 $0xFFFE9800  }
0x1c7: {  	_ =	swait.ge [sflag:s2], $0x16800  }
0x1c8: {  	[sflag:s2] =	ssyncset.done $0x0  }
0x1c9: {  	[sflag:s2] =	ssyncadd.s32 $0xFFFE9800  }
0x1ca: {  	_ =	swait.ge [sflag:s2], $0x16800  }
0x1cb: {  	[sflag:s2] =	ssyncset.done $0x0  }
0x1cc: {  	[sflag:s2] =	ssyncadd.s32 $0xFFFE9800  }
0x1cd: {  	_ =	swait.ge [sflag:s2], $0x16800  }
0x1ce: {  	[sflag:s2] =	ssyncset.done $0x0  }
0x1cf: {  	[sflag:s2] =	ssyncadd.s32 $0xFFFE9800  }
0x1d0: {  	_ =	swait.ge [sflag:s2], $0x16800  }
0x1d1: {  	[sflag:s2] =	ssyncset.done $0x0  }
0x1d2: {  	[sflag:s2] =	ssyncadd.s32 $0xFFFE9800  }
0x1d3: {  	_ =	swait.ge [sflag:s2], $0x16800  }
0x1d4: {  	[sflag:s2] =	ssyncset.done $0x0  }
0x1d5: {  	[sflag:s2] =	ssyncadd.s32 $0xFFFE9800  }
0x1d6: {  	_ =	swait.ge [sflag:s2], $0x16800  }
0x1d7: {  	[sflag:s2] =	ssyncset.done $0x0  }
0x1d8: {  	[sflag:s2] =	ssyncadd.s32 $0xFFFE9800  }
0x1d9: {  	_ =	swait.ge [sflag:s2], $0x16800  }
0x1da: {  	[sflag:s2] =	ssyncset.done $0x0  }
0x1db: {  	[sflag:s2] =	ssyncadd.s32 $0xFFFE9800  }
0x1dc: {  	_ =	swait.ge [sflag:s2], $0x16800  }
0x1dd: {  	[sflag:s2] =	ssyncset.done $0x0  }
0x1de: {  	p1 =	sne.s32 s5, $0x1;
	[sflag:s2] =	ssyncadd.s32 $0xFFFE9800  }
.Ltmp2:
0x1df: {  	_ =	swait.ge [sflag:s2], $0x16800;
	(pc) =	sbr.rel @p1 .LBB2_2-.Ltmp2, $4  }
0x1e0: {  	[sflag:s2] =	ssyncset.done $0x0  }
0x1e1: {  	[sflag:s2] =	ssyncadd.s32 $0xFFFE9800  }
0x1e2: {  	_ =	swait.ge [sflag:s2], $0x16800  }
0x1e3: {  	s5 =	sadd.s32 $0xFFFFFFFF, s5;
	s6 =	rddreg [dreg:$0x4];
	[sflag:s2] =	ssyncset.done $0x0  }
.LBB2_3:
0x1e4: {  	[sflag:s2] =	ssyncadd.s32 @p0 $0xFFFE9800;
	s5 =	sld [smem:$0x7F8]  }
0x1e5: {  	[tilespmem:s3], [sflag:$0x1] =	stream.linear.gather [hbm4b:s6+s3], $0x20, $0x38;
	[tilespmem:$0x1BC80] =	vst v63  }
0x1e6: {  	s10 =	sld [smem:$0x7F9]  }
0x1e7: {  	[tilespmem:s5], [sflag:$0x1] =	stream.linear.gather [hbm4b:s4+s3], $0x5400, $0x38;
	[tilespmem:$0x1BC80] =	vst v63  }
0x1e8: {  	s11 =	sld [smem:$0x7FA]  }
0x1e9: {  	[tilespmem:s10], [sflag:$0x1] =	stream.linear.gather [hbm4b:s4+s3], $0x5400, $0x38;
	[tilespmem:$0x1BC80] =	vst v63  }
0x1ea: {  	s12 =	sld [smem:$0x7FB]  }
0x1eb: {  	[tilespmem:s11], [sflag:$0x1] =	stream.linear.gather [hbm4b:s4+s3], $0x5400, $0x38;
	[tilespmem:$0x1BC80] =	vst v63  }
0x1ec: {  	s13 =	sld [smem:$0x7FC]  }
0x1ed: {  	[tilespmem:s12], [sflag:$0x1] =	stream.linear.gather [hbm4b:s4+s3], $0x5400, $0x38;
	[tilespmem:$0x1BC80] =	vst v63  }
0x1ee: {  	s14 =	sld [smem:$0x7FD]  }
0x1ef: {  	[tilespmem:s13], [sflag:$0x1] =	stream.linear.gather [hbm4b:s4+s3], $0x5400, $0x38;
	[tilespmem:$0x1BC80] =	vst v63  }
0x1f0: {  	_ = 	snop  }
0x1f1: {  	[tilespmem:s14], [sflag:$0x1] =	stream.linear.gather [hbm4b:s4+s3], $0x1800, $0x38;
	[tilespmem:$0x1BC80] =	vst v63  }
0x1f2: {  	_ =	swait.ge [sflag:s2], $0x20  }
0x1f3: {  	[sflag:s2] =	ssyncset.done $0x0  }
0x1f4: {  	[sflag:s2] =	ssyncadd.s32 $0xFFFFFFE0  }
0x1f5: {  	_ =	swait.ge [sflag:s2], $0x5400  }
0x1f6: {  	[sflag:s2] =	ssyncset.done $0x0  }
0x1f7: {  	[sflag:s2] =	ssyncadd.s32 $0xFFFFAC00  }
0x1f8: {  	_ =	swait.ge [sflag:s2], $0x5400  }
0x1f9: {  	[sflag:s2] =	ssyncset.done $0x0  }
0x1fa: {  	[sflag:s2] =	ssyncadd.s32 $0xFFFFAC00  }
0x1fb: {  	_ =	swait.ge [sflag:s2], $0x5400  }
0x1fc: {  	[sflag:s2] =	ssyncset.done $0x0  }
0x1fd: {  	[sflag:s2] =	ssyncadd.s32 $0xFFFFAC00  }
0x1fe: {  	_ =	swait.ge [sflag:s2], $0x5400  }
0x1ff: {  	[sflag:s2] =	ssyncset.done $0x0  }
0x200: {  	[sflag:s2] =	ssyncadd.s32 $0xFFFFAC00  }
0x201: {  	_ =	swait.ge [sflag:s2], $0x5400  }
0x202: {  	[sflag:s2] =	ssyncset.done $0x0  }
0x203: {  	[sflag:s2] =	ssyncadd.s32 $0xFFFFAC00  }
0x204: {  	_ =	swait.ge [sflag:s2], $0x1800  }
0x205: {  	[sflag:s2] =	ssyncset.done $0x0  }
0x206: {  	[sflag:s2] =	ssyncadd.s32 $0xFFFFE800  }
0x207: {  	v0 =	vld [tilespmem:$0x0];
	_ =	sdelay $0x4  }
0x208: {  	v0 =	vshll.u32 v0, $0x9  }
0x209: {  	v0 =	vshra.s32 v0, $0x2  }
0x20a: {  	v0 =	vadd.s32 $0x80, v0  }
0x20b: {  	(v2sf) =	vpush v0, $0x0;
	_ =	sdelay $0x1  }
0x20c: {  	(v2sf) =	vpush v0, $0x1;
	_ =	sdelay $0x1  }
0x20d: {  	(v2sf) =	vpush v0, $0x2;
	_ =	sdelay $0x1  }
0x20e: {  	(v2sf) =	vpush v0, $0x3;
	_ =	sdelay $0x1  }
0x20f: {  	(v2sf) =	vpush v0, $0x4;
	_ =	sdelay $0x1  }
0x210: {  	(v2sf) =	vpush v0, $0x5;
	_ =	sdelay $0x1  }
0x211: {  	(v2sf) =	vpush v0, $0x6;
	_ =	sdelay $0x1  }
0x212: {  	(v2sf) =	vpush v0, $0x7  }
0x213: {  	s15 =	rddreg [dreg:$0x5];
	s17 =	spop (v2sf)  }
0x214: {  	(v2sf) =	vpush v0, $0x8;
	[hbm4b:s15+s3] =	stream.linear.scatter [tilespmem:s17], [sflag:$0x1], $0x16800, $0x38;
	[tilespmem:$0x1BC80] =	vst v63  }
0x215: {  	s16 =	rddreg [dreg:$0x6];
	s19 =	spop (v2sf)  }
0x216: {  	(v2sf) =	vpush v0, $0x9;
	[hbm4b:s16+s3] =	stream.linear.scatter [tilespmem:s19], [sflag:$0x1], $0x16800, $0x38;
	[tilespmem:$0x1BC80] =	vst v63  }
0x217: {  	s18 =	rddreg [dreg:$0x7];
	s21 =	spop (v2sf)  }
0x218: {  	(v2sf) =	vpush v0, $0xA;
	[hbm4b:s18+s3] =	stream.linear.scatter [tilespmem:s21], [sflag:$0x1], $0x16800, $0x38;
	[tilespmem:$0x1BC80] =	vst v63  }
0x219: {  	s20 =	rddreg [dreg:$0x8];
	s23 =	spop (v2sf)  }
0x21a: {  	(v2sf) =	vpush v0, $0xB;
	[hbm4b:s20+s3] =	stream.linear.scatter [tilespmem:s23], [sflag:$0x1], $0x16800, $0x38;
	[tilespmem:$0x1BC80] =	vst v63  }
0x21b: {  	s22 =	rddreg [dreg:$0x9];
	s25 =	spop (v2sf)  }
0x21c: {  	(v2sf) =	vpush v0, $0xC;
	[hbm4b:s22+s3] =	stream.linear.scatter [tilespmem:s25], [sflag:$0x1], $0x16800, $0x38;
	[tilespmem:$0x1BC80] =	vst v63  }
0x21d: {  	s24 =	rddreg [dreg:$0xa];
	s28 =	spop (v2sf)  }
0x21e: {  	(v2sf) =	vpush v0, $0xD;
	[hbm4b:s24+s3] =	stream.linear.scatter [tilespmem:s28], [sflag:$0x1], $0x16800, $0x38;
	[tilespmem:$0x1BC80] =	vst v63  }
0x21f: {  	s26 =	rddreg [dreg:$0xb];
	s30 =	spop (v2sf)  }
0x220: {  	(v2sf) =	vpush v0, $0xE;
	[hbm4b:s26+s3] =	stream.linear.scatter [tilespmem:s30], [sflag:$0x1], $0x16800, $0x38;
	[tilespmem:$0x1BC80] =	vst v63  }
0x221: {  	s29 =	rddreg [dreg:$0xc];
	s7 =	spop (v2sf)  }
0x222: {  	(v2sf) =	vpush v0, $0xF;
	[hbm4b:s29+s3] =	stream.linear.scatter [tilespmem:s7], [sflag:$0x1], $0x16800, $0x38;
	[tilespmem:$0x1BC80] =	vst v63  }
0x223: {  	s31 =	rddreg [dreg:$0xd];
	s9 =	spop (v2sf)  }
0x224: {  	[hbm4b:s31+s3] =	stream.linear.scatter [tilespmem:s9], [sflag:$0x1], $0x16800, $0x38;
	[tilespmem:$0x1BC80] =	vst v63  }
0x225: {  	s8 =	rddreg [dreg:$0xe];
	s11 =	spop (v2sf)  }
0x226: {  	[hbm4b:s8+s3] =	stream.linear.scatter [tilespmem:s11], [sflag:$0x1], $0x16800, $0x38;
	[tilespmem:$0x1BC80] =	vst v63  }
0x227: {  	s10 =	rddreg [dreg:$0xf];
	s13 =	spop (v2sf)  }
0x228: {  	[hbm4b:s10+s3] =	stream.linear.scatter [tilespmem:s13], [sflag:$0x1], $0x16800, $0x38;
	[tilespmem:$0x1BC80] =	vst v63  }
0x229: {  	s12 =	rddreg [dreg:$0x10];
	s15 =	spop (v2sf)  }
0x22a: {  	[hbm4b:s12+s3] =	stream.linear.scatter [tilespmem:s15], [sflag:$0x1], $0x16800, $0x38;
	[tilespmem:$0x1BC80] =	vst v63  }
0x22b: {  	s14 =	rddreg [dreg:$0x11];
	s17 =	spop (v2sf)  }
0x22c: {  	[hbm4b:s14+s3] =	stream.linear.scatter [tilespmem:s17], [sflag:$0x1], $0x16800, $0x38;
	[tilespmem:$0x1BC80] =	vst v63  }
0x22d: {  	s16 =	rddreg [dreg:$0x12];
	s19 =	spop (v2sf)  }
0x22e: {  	[hbm4b:s16+s3] =	stream.linear.scatter [tilespmem:s19], [sflag:$0x1], $0x16800, $0x38;
	[tilespmem:$0x1BC80] =	vst v63  }
0x22f: {  	s18 =	rddreg [dreg:$0x13];
	s21 =	spop (v2sf)  }
0x230: {  	[hbm4b:s18+s3] =	stream.linear.scatter [tilespmem:s21], [sflag:$0x1], $0x16800, $0x38;
	[tilespmem:$0x1BC80] =	vst v63  }
0x231: {  	s20 =	rddreg [dreg:$0x14];
	s22 =	spop (v2sf)  }
0x232: {  	[hbm4b:s20+s3] =	stream.linear.scatter [tilespmem:s22], [sflag:$0x1], $0x16800, $0x38;
	[tilespmem:$0x1BC80] =	vst v63  }
0x233: {  	v63 =	vld [tilespmem:$0x10];
	_ =	sdelay $0x4  }
0x234: {  	v0 =	vshll.u32 v63, $0x9  }
0x235: {  	v0 =	vshra.s32 v0, $0x2  }
0x236: {  	v0 =	vadd.s32 $0x80, v0  }
0x237: {  	(v2sf) =	vpush v0, $0x0;
	_ =	sdelay $0x1  }
0x238: {  	(v2sf) =	vpush v0, $0x1;
	_ =	sdelay $0x1  }
0x239: {  	(v2sf) =	vpush v0, $0x2;
	_ =	sdelay $0x1  }
0x23a: {  	(v2sf) =	vpush v0, $0x3;
	_ =	sdelay $0x1  }
0x23b: {  	(v2sf) =	vpush v0, $0x4;
	_ =	sdelay $0x1  }
0x23c: {  	(v2sf) =	vpush v0, $0x5;
	_ =	sdelay $0x1  }
0x23d: {  	(v2sf) =	vpush v0, $0x6;
	_ =	sdelay $0x1  }
0x23e: {  	s23 =	rddreg [dreg:$0x15];
	(v2sf) =	vpush v0, $0x7  }
0x23f: {  	s24 =	rddreg [dreg:$0x16];
	s25 =	spop (v2sf)  }
0x240: {  	(v2sf) =	vpush v0, $0x8;
	[hbm4b:s23+s3] =	stream.linear.scatter [tilespmem:s25], [sflag:$0x1], $0x16800, $0x38;
	[tilespmem:$0x1BC80] =	vst v63  }
0x241: {  	s26 =	rddreg [dreg:$0x17];
	s28 =	spop (v2sf)  }
0x242: {  	(v2sf) =	vpush v0, $0x9;
	[hbm4b:s24+s3] =	stream.linear.scatter [tilespmem:s28], [sflag:$0x1], $0x16800, $0x38;
	[tilespmem:$0x1BC80] =	vst v63  }
0x243: {  	s29 =	rddreg [dreg:$0x18];
	s30 =	spop (v2sf)  }
0x244: {  	(v2sf) =	vpush v0, $0xA;
	[hbm4b:s26+s3] =	stream.linear.scatter [tilespmem:s30], [sflag:$0x1], $0x16800, $0x38;
	[tilespmem:$0x1BC80] =	vst v63  }
0x245: {  	s31 =	rddreg [dreg:$0x19];
	s7 =	spop (v2sf)  }
0x246: {  	(v2sf) =	vpush v0, $0xB;
	[hbm4b:s29+s3] =	stream.linear.scatter [tilespmem:s7], [sflag:$0x1], $0x16800, $0x38;
	[tilespmem:$0x1BC80] =	vst v63  }
0x247: {  	s8 =	rddreg [dreg:$0x1a];
	s9 =	spop (v2sf)  }
0x248: {  	(v2sf) =	vpush v0, $0xC;
	[hbm4b:s31+s3] =	stream.linear.scatter [tilespmem:s9], [sflag:$0x1], $0x16800, $0x38;
	[tilespmem:$0x1BC80] =	vst v63  }
0x249: {  	s10 =	rddreg [dreg:$0x1b];
	s11 =	spop (v2sf)  }
0x24a: {  	(v2sf) =	vpush v0, $0xD;
	[hbm4b:s8+s3] =	stream.linear.scatter [tilespmem:s11], [sflag:$0x1], $0x16800, $0x38;
	[tilespmem:$0x1BC80] =	vst v63  }
0x24b: {  	s12 =	rddreg [dreg:$0x1c];
	s13 =	spop (v2sf)  }
0x24c: {  	(v2sf) =	vpush v0, $0xE;
	[hbm4b:s10+s3] =	stream.linear.scatter [tilespmem:s13], [sflag:$0x1], $0x16800, $0x38;
	[tilespmem:$0x1BC80] =	vst v63  }
0x24d: {  	s14 =	rddreg [dreg:$0x1d];
	s15 =	spop (v2sf)  }
0x24e: {  	(v2sf) =	vpush v0, $0xF;
	[hbm4b:s12+s3] =	stream.linear.scatter [tilespmem:s15], [sflag:$0x1], $0x16800, $0x38;
	[tilespmem:$0x1BC80] =	vst v63  }
0x24f: {  	s16 =	rddreg [dreg:$0x1e];
	s17 =	spop (v2sf)  }
0x250: {  	[hbm4b:s14+s3] =	stream.linear.scatter [tilespmem:s17], [sflag:$0x1], $0x16800, $0x38;
	[tilespmem:$0x1BC80] =	vst v63  }
0x251: {  	s18 =	rddreg [dreg:$0x1f];
	s19 =	spop (v2sf)  }
0x252: {  	[hbm4b:s16+s3] =	stream.linear.scatter [tilespmem:s19], [sflag:$0x1], $0x16800, $0x38;
	[tilespmem:$0x1BC80] =	vst v63  }
0x253: {  	s20 =	sld [smem:$0x7F3];
	s21 =	spop (v2sf)  }
0x254: {  	[hbm4b:s18+s3] =	stream.linear.scatter [tilespmem:s21], [sflag:$0x1], $0x16800, $0x38;
	[tilespmem:$0x1BC80] =	vst v63  }
0x255: {  	s22 =	sld [smem:$0x7F4];
	s23 =	spop (v2sf)  }
0x256: {  	[hbm4b:s20+s3] =	stream.linear.scatter [tilespmem:s23], [sflag:$0x1], $0x16800, $0x38;
	[tilespmem:$0x1BC80] =	vst v63  }
0x257: {  	s24 =	sld [smem:$0x7F5];
	s25 =	spop (v2sf)  }
0x258: {  	[hbm4b:s22+s3] =	stream.linear.scatter [tilespmem:s25], [sflag:$0x1], $0x16800, $0x38;
	[tilespmem:$0x1BC80] =	vst v63  }
0x259: {  	s26 =	sld [smem:$0x7F6];
	s28 =	spop (v2sf)  }
0x25a: {  	[hbm4b:s24+s3] =	stream.linear.scatter [tilespmem:s28], [sflag:$0x1], $0x16800, $0x38;
	[tilespmem:$0x1BC80] =	vst v63  }
0x25b: {  	s29 =	sld [smem:$0x7F7];
	s30 =	spop (v2sf)  }
0x25c: {  	[hbm4b:s26+s3] =	stream.linear.scatter [tilespmem:s30], [sflag:$0x1], $0x16800, $0x38;
	[tilespmem:$0x1BC80] =	vst v63  }
0x25d: {  	s31 =	spop (v2sf)  }
0x25e: {  	[hbm4b:s29+s3] =	stream.linear.scatter [tilespmem:s31], [sflag:$0x1], $0x16800, $0x38;
	[tilespmem:$0x1BC80] =	vst v63  }
0x25f: {  	_ =	swait.ge [sflag:s2], $0x16800  }
0x260: {  	[sflag:s2] =	ssyncset.done $0x0  }
0x261: {  	[sflag:s2] =	ssyncadd.s32 $0xFFFE9800  }
0x262: {  	_ =	swait.ge [sflag:s2], $0x16800  }
0x263: {  	[sflag:s2] =	ssyncset.done $0x0  }
0x264: {  	[sflag:s2] =	ssyncadd.s32 $0xFFFE9800  }
0x265: {  	_ =	swait.ge [sflag:s2], $0x16800  }
0x266: {  	[sflag:s2] =	ssyncset.done $0x0  }
0x267: {  	[sflag:s2] =	ssyncadd.s32 $0xFFFE9800  }
0x268: {  	_ =	swait.ge [sflag:s2], $0x16800  }
0x269: {  	[sflag:s2] =	ssyncset.done $0x0  }
0x26a: {  	[sflag:s2] =	ssyncadd.s32 $0xFFFE9800  }
0x26b: {  	_ =	swait.ge [sflag:s2], $0x16800  }
0x26c: {  	[sflag:s2] =	ssyncset.done $0x0  }
0x26d: {  	[sflag:s2] =	ssyncadd.s32 $0xFFFE9800  }
0x26e: {  	_ =	swait.ge [sflag:s2], $0x16800  }
0x26f: {  	[sflag:s2] =	ssyncset.done $0x0  }
0x270: {  	[sflag:s2] =	ssyncadd.s32 $0xFFFE9800  }
0x271: {  	_ =	swait.ge [sflag:s2], $0x16800  }
0x272: {  	[sflag:s2] =	ssyncset.done $0x0  }
0x273: {  	[sflag:s2] =	ssyncadd.s32 $0xFFFE9800  }
0x274: {  	_ =	swait.ge [sflag:s2], $0x16800  }
0x275: {  	[sflag:s2] =	ssyncset.done $0x0  }
0x276: {  	[sflag:s2] =	ssyncadd.s32 $0xFFFE9800  }
0x277: {  	_ =	swait.ge [sflag:s2], $0x16800  }
0x278: {  	[sflag:s2] =	ssyncset.done $0x0  }
0x279: {  	[sflag:s2] =	ssyncadd.s32 $0xFFFE9800  }
0x27a: {  	_ =	swait.ge [sflag:s2], $0x16800  }
0x27b: {  	[sflag:s2] =	ssyncset.done $0x0  }
0x27c: {  	[sflag:s2] =	ssyncadd.s32 $0xFFFE9800  }
0x27d: {  	_ =	swait.ge [sflag:s2], $0x16800  }
0x27e: {  	[sflag:s2] =	ssyncset.done $0x0  }
0x27f: {  	[sflag:s2] =	ssyncadd.s32 $0xFFFE9800  }
0x280: {  	_ =	swait.ge [sflag:s2], $0x16800  }
0x281: {  	[sflag:s2] =	ssyncset.done $0x0  }
0x282: {  	[sflag:s2] =	ssyncadd.s32 $0xFFFE9800  }
0x283: {  	_ =	swait.ge [sflag:s2], $0x16800  }
0x284: {  	[sflag:s2] =	ssyncset.done $0x0  }
0x285: {  	[sflag:s2] =	ssyncadd.s32 $0xFFFE9800  }
0x286: {  	_ =	swait.ge [sflag:s2], $0x16800  }
0x287: {  	[sflag:s2] =	ssyncset.done $0x0  }
0x288: {  	[sflag:s2] =	ssyncadd.s32 $0xFFFE9800  }
0x289: {  	_ =	swait.ge [sflag:s2], $0x16800  }
0x28a: {  	[sflag:s2] =	ssyncset.done $0x0  }
0x28b: {  	[sflag:s2] =	ssyncadd.s32 $0xFFFE9800  }
0x28c: {  	_ =	swait.ge [sflag:s2], $0x16800  }
0x28d: {  	[sflag:s2] =	ssyncset.done $0x0  }
0x28e: {  	[sflag:s2] =	ssyncadd.s32 $0xFFFE9800  }
0x28f: {  	_ =	swait.ge [sflag:s2], $0x16800  }
0x290: {  	[sflag:s2] =	ssyncset.done $0x0  }
0x291: {  	[sflag:s2] =	ssyncadd.s32 $0xFFFE9800  }
0x292: {  	_ =	swait.ge [sflag:s2], $0x16800  }
0x293: {  	[sflag:s2] =	ssyncset.done $0x0  }
0x294: {  	[sflag:s2] =	ssyncadd.s32 $0xFFFE9800  }
0x295: {  	_ =	swait.ge [sflag:s2], $0x16800  }
0x296: {  	[sflag:s2] =	ssyncset.done $0x0  }
0x297: {  	[sflag:s2] =	ssyncadd.s32 $0xFFFE9800  }
0x298: {  	_ =	swait.ge [sflag:s2], $0x16800  }
0x299: {  	[sflag:s2] =	ssyncset.done $0x0  }
0x29a: {  	[sflag:s2] =	ssyncadd.s32 $0xFFFE9800  }
0x29b: {  	_ =	swait.ge [sflag:s2], $0x16800  }
0x29c: {  	[sflag:s2] =	ssyncset.done $0x0  }
0x29d: {  	[sflag:s2] =	ssyncadd.s32 $0xFFFE9800  }
0x29e: {  	_ =	swait.ge [sflag:s2], $0x16800  }
0x29f: {  	[sflag:s2] =	ssyncset.done $0x0  }
0x2a0: {  	[sflag:s2] =	ssyncadd.s32 $0xFFFE9800  }
0x2a1: {  	_ =	swait.ge [sflag:s2], $0x16800  }
0x2a2: {  	[sflag:s2] =	ssyncset.done $0x0  }
0x2a3: {  	[sflag:s2] =	ssyncadd.s32 $0xFFFE9800  }
0x2a4: {  	_ =	swait.ge [sflag:s2], $0x16800  }
0x2a5: {  	[sflag:s2] =	ssyncset.done $0x0  }
0x2a6: {  	[sflag:s2] =	ssyncadd.s32 $0xFFFE9800  }
0x2a7: {  	_ =	swait.ge [sflag:s2], $0x16800  }
0x2a8: {  	[sflag:s2] =	ssyncset.done $0x0  }
0x2a9: {  	[sflag:s2] =	ssyncadd.s32 $0xFFFE9800  }
0x2aa: {  	_ =	swait.ge [sflag:s2], $0x16800  }
0x2ab: {  	[sflag:s2] =	ssyncset.done $0x0  }
0x2ac: {  	[sflag:s2] =	ssyncadd.s32 $0xFFFE9800  }
0x2ad: {  	_ =	swait.ge [sflag:s2], $0x16800  }
0x2ae: {  	[sflag:s2] =	ssyncset.done $0x0  }
0x2af: {  	[sflag:s2] =	ssyncadd.s32 $0xFFFE9800  }
0x2b0: {  	_ =	swait.ge [sflag:s2], $0x16800  }
0x2b1: {  	[sflag:s2] =	ssyncset.done $0x0  }
0x2b2: {  	[sflag:s2] =	ssyncadd.s32 $0xFFFE9800  }
0x2b3: {  	_ =	swait.ge [sflag:s2], $0x16800  }
0x2b4: {  	[sflag:s2] =	ssyncset.done $0x0  }
0x2b5: {  	[sflag:s2] =	ssyncadd.s32 $0xFFFE9800  }
0x2b6: {  	_ =	swait.ge [sflag:s2], $0x16800  }
0x2b7: {  	[sflag:s2] =	ssyncset.done $0x0  }
0x2b8: {  	[sflag:s2] =	ssyncadd.s32 $0xFFFE9800  }
0x2b9: {  	_ =	swait.ge [sflag:s2], $0x16800  }
0x2ba: {  	[sflag:s2] =	ssyncset.done $0x0  }
0x2bb: {  	[sflag:s2] =	ssyncadd.s32 $0xFFFE9800  }
0x2bc: {  	_ =	swait.ge [sflag:s2], $0x16800  }
0x2bd: {  	[sflag:s2] =	ssyncset.done $0x0  }
0x2be: {  	[sflag:s2] =	ssyncadd.s32 $0xFFFE9800  }
0x2bf: {  	_ =	sfence.sel $0x180000  }
0x2c0: {  	[bflag:$0x0] =	sbarrier.arrive $0xFFFF  }
0x2c1: {  	p0 =	sne.s32 s0, $0x0;
	_ =	strace $0x90000047  }
0x2c2: {  	s0 =	sadd.s32 @!p0 $0x100000, s1;
	[bflag:$0x2] =	sbarrier.arrive $0xFFFF  }
0x2c3: {  	[sflag:s0] =	ssyncadd.tile.s32 @!p0 $0x1;
	_ =	shalt  }
.Lfunc_end2:
_tile_overlayer_lowered:
.L_overlay_start_2:
0x2c4: {  	(tag) =	ssettag $0x2  }
0x2c5: {  	s0 =	rddreg [dreg:$0x0];
	s2 =	stileid.u32  }
0x2c6: {  	s1 =	rddreg [dreg:$0x1];
	p0 =	sne.s32 s2, $0x0  }
0x2c7: {  	s3 =	rddreg [dreg:$0x2];
	[bflag:$0x3] =	sbarrier.arrive $0xFFFF;
	s2 =	simm.s32 @!p0 $0x1C02  }
0x2c8: {  	[timem:s3], [sflag:s2] =	dma.local @!p0 [hbm:s0], s1  }
0x2c9: {  	s0 =	simm.s32 @!p0 $0x2  }
0x2ca: {  	_ =	swait.ge @!p0 [sflag:s0], s1  }
0x2cb: {  	s1 =	ssub.s32 @!p0 $0x0, s1;
	[sflag:s0] =	ssyncset.done @!p0 $0x0  }
0x2cc: {  	[sflag:s0] =	ssyncadd.s32 @!p0 s1  }
0x2cd: {  	[bflag:$0x3] =	sbarrier.arrive $0xFFFF  }
0x2ce: {  	_ =	shalt  }

</sc_bundles>
